<compile_context>
chip_gen: v7x
topology: tpu7x:2x2x1
jax: 0.10.2.dev20260603
libtpu: 0.0.44.dev20260713+nightly
codegen_flags: <defaults>
</compile_context>

<pallas_src>
import functools

import jax
import jax.numpy as jnp
from jax import lax
from jax.experimental import pallas as pl
from jax.experimental.pallas import tpu as pltpu
from jax.experimental.pallas import tpu_sc as plsc

_NUM_CORES = 2
_NUM_SUBCORES = 16
_LANES = 16
_NBUF = 2


@functools.lru_cache(maxsize=None)
def _build(B, V, D, chunk):
    nw = _NUM_CORES * _NUM_SUBCORES
    per_w = B // nw
    nchunks = per_w // chunk
    assert per_w % chunk == 0 and nchunks % _NBUF == 0
    mesh = plsc.VectorSubcoreMesh(core_axis_name="c", subcore_axis_name="s")

    @functools.partial(
        pl.kernel,
        mesh=mesh,
        out_type=jax.ShapeDtypeStruct((B, D), jnp.float32),
        scratch_types=(
            [pltpu.VMEM((chunk,), jnp.int32) for _ in range(_NBUF)]
            + [pltpu.VMEM((chunk, D), jnp.float32) for _ in range(_NBUF)]
            + [pltpu.SemaphoreType.DMA for _ in range(2 * _NBUF)]
        ),
        compiler_params=pltpu.CompilerParams(use_tc_tiling_on_sc=False),
    )
    def emb_kernel(idx_hbm, table_hbm, out_hbm,
                   idx0, idx1, rows0, rows1, g0, g1, s0, s1):
        idxv = (idx0, idx1)
        rows = (rows0, rows1)
        gsem = (g0, g1)
        ssem = (s0, s1)
        wid = lax.axis_index("s") * _NUM_CORES + lax.axis_index("c")
        base = wid * per_w

        for b in range(_NBUF):
            pltpu.sync_copy(idx_hbm.at[pl.ds(base + b * chunk, chunk)],
                            idxv[b])
            pltpu.async_copy(table_hbm.at[idxv[b]], rows[b], gsem[b])

        def outer(o, _):
            for b in range(_NBUF):
                g = o * _NBUF + b
                pltpu.make_async_copy(table_hbm.at[idxv[b]], rows[b],
                                      gsem[b]).wait()

                def sbody(r, _):
                    for j in range(D // _LANES):
                        sl = pl.ds(j * _LANES, _LANES)
                        rows[b][r, sl] = rows[b][r, sl] * 8.0
                    return 0

                lax.fori_loop(0, chunk, sbody, 0, unroll=4)

                dst = out_hbm.at[pl.ds(base + g * chunk, chunk)]
                pltpu.async_copy(rows[b], dst, ssem[b])

                @pl.when(g + _NBUF < nchunks)
                def _():
                    pltpu.sync_copy(
                        idx_hbm.at[pl.ds(base + (g + _NBUF) * chunk, chunk)],
                        idxv[b])
                    pltpu.make_async_copy(rows[b], dst, ssem[b]).wait()
                    pltpu.async_copy(table_hbm.at[idxv[b]], rows[b], gsem[b])
            return 0

        lax.fori_loop(0, nchunks // _NBUF, outer, 0)

        for b in range(_NBUF):
            g = nchunks - _NBUF + b
            dst = out_hbm.at[pl.ds(base + g * chunk, chunk)]
            pltpu.make_async_copy(rows[b], dst, ssem[b]).wait()

    return emb_kernel


def kernel(tokens, weight):
    dim1, dim2 = tokens.shape
    V, D = weight.shape
    B = dim1 * dim2
    idx = tokens.T.reshape(-1).astype(jnp.int32)
    out = _build(B, V, D, 512)(idx, weight)
    return out.reshape(dim2, dim1, D).transpose(1, 0, 2)

# --- scband reference (transcript-rebuilt; emitter-appended) ---
"""Pipeline reference for scband-token-embedding-56461640073818 (READ-ONLY COPY).

The authoritative reference and input builder live on the scoring server;
editing this copy changes nothing except your own understanding.
"""

import jax, jax.numpy as jnp
import numpy as np

VOCAB = 1000000
EMB = 64

def setup_inputs(seed: int = 0) -> dict:
    key = jax.random.key(seed)
    k1, k2 = jax.random.split(key)
    tokens = jax.random.randint(k1, (4096, 200), 0, VOCAB, dtype=jnp.int64 if jax.config.jax_enable_x64 else jnp.int32)
    weight = jax.random.normal(k2, (VOCAB, EMB), dtype=jnp.float32)
    return {"tokens": tokens, "weight": weight}

def reference(tokens, weight):
    dim1, dim2 = tokens.shape
    emb_size = weight.shape[1]
    idx = tokens.reshape(-1)
    # torch.gather(weight, dim=0, index=idx.expand(N, emb_size)) == row gather
    embeddings = jnp.take(weight, idx, axis=0)
    embeddings = embeddings.reshape(dim1, dim2, -1)
    return embeddings * np.sqrt(float(emb_size)).astype(np.float32)

if __name__ == "__main__":
    import jax
    _d = setup_inputs()
    print(jax.jit(kernel)(*tuple(_d.values())))

</pallas_src>

<mosaic_0001>
#map = affine_map<(d0, d1) -> (0)>
#map1 = affine_map<(d0, d1) -> (0, 0)>
module attributes {stable_mosaic.version = 14 : i64} {
  func.func @emb_kernel(%arg0: i32, %arg1: i32, %arg2: memref<819200xi32, #tpu.memory_space<hbm>>, %arg3: memref<1000000x64xf32, #tpu.memory_space<hbm>>, %arg4: memref<819200x64xf32, #tpu.memory_space<hbm>>, %arg5: memref<512xi32, #tpu.memory_space<vmem>>, %arg6: memref<512xi32, #tpu.memory_space<vmem>>, %arg7: memref<512x64xf32, #tpu.memory_space<vmem>>, %arg8: memref<512x64xf32, #tpu.memory_space<vmem>>, %arg9: memref<!tpu.dma_semaphore, #tpu.memory_space<semaphore_mem>>, %arg10: memref<!tpu.dma_semaphore, #tpu.memory_space<semaphore_mem>>, %arg11: memref<!tpu.dma_semaphore, #tpu.memory_space<semaphore_mem>>, %arg12: memref<!tpu.dma_semaphore, #tpu.memory_space<semaphore_mem>>) attributes {dimension_semantics = [#tpu.dimension_semantics<core_parallel>, #tpu.dimension_semantics<subcore_parallel>], iteration_bounds = array<i64: 2, 16>, scalar_prefetch = 0 : i64, scratch_operands = 8 : i64, tpu.core_type = #tpu.core_type<sc_vector_subcore>, window_params = [{transform_indices = #map}, {transform_indices = #map1}, {transform_indices = #map1}]} {
    %mul3A = arith.constant 2 : i32
    %mul3A_0 = arith.muli %arg1, %mul3A : i32
    %add3A = arith.addi %mul3A_0, %arg0 : i32
    %mul3A_1 = arith.constant 25600 : i32
    %mul3A_2 = arith.muli %add3A, %mul3A_1 : i32
    %add3A_3 = arith.constant 0 : i32
    %add3A_4 = arith.addi %mul3A_2, %add3A_3 : i32
    "tpu.region"() ({
      %run_scoped3A = tpu.sem_alloc : memref<!tpu.dma_semaphore, #tpu.memory_space<semaphore_mem>>
      %dma_start3A_29 = tpu.memref_slice %arg2[%add3A_4] : memref<819200xi32, #tpu.memory_space<hbm>> -> memref<512xi32, #tpu.memory_space<hbm>>
      %dma_start3A_30 = tpu.memref_slice %arg2[%add3A_4] : memref<819200xi32, #tpu.memory_space<hbm>> -> memref<512xi32, #tpu.memory_space<hbm>>
      tpu.enqueue_dma source(%dma_start3A_30 : memref<512xi32, #tpu.memory_space<hbm>>) target(%arg5 : memref<512xi32, #tpu.memory_space<vmem>>) target_semaphore(%run_scoped3A : memref<!tpu.dma_semaphore, #tpu.memory_space<semaphore_mem>>)
      %dma_wait3A_31 = tpu.memref_slice %arg2[%add3A_4] : memref<819200xi32, #tpu.memory_space<hbm>> -> memref<512xi32, #tpu.memory_space<hbm>>
      %dma_wait3A_32 = tpu.memref_slice %arg2[%add3A_4] : memref<819200xi32, #tpu.memory_space<hbm>> -> memref<512xi32, #tpu.memory_space<hbm>>
      tpu.wait_dma2 semaphore(%run_scoped3A : memref<!tpu.dma_semaphore, #tpu.memory_space<semaphore_mem>>) src(%dma_wait3A_32 : memref<512xi32, #tpu.memory_space<hbm>>) dst(%arg5 : memref<512xi32, #tpu.memory_space<vmem>>)
      tpu.yield
    }) : () -> ()
    %dma_start3A = arith.constant 0 : i32
    %dma_start3A_5 = arith.constant 0 : i32
    %dma_start3A_6 = tpu.memref_slice %arg3[%dma_start3A, %dma_start3A_5] : memref<1000000x64xf32, #tpu.memory_space<hbm>> -> memref<1000000x64xf32, #tpu.memory_space<hbm>>
    tpu.enqueue_indirect_dma source(%dma_start3A_6 : memref<1000000x64xf32, #tpu.memory_space<hbm>>) target(%arg7 : memref<512x64xf32, #tpu.memory_space<vmem>>) offsets(%arg5 : memref<512xi32, #tpu.memory_space<vmem>>) semaphore(%arg9 : memref<!tpu.dma_semaphore, #tpu.memory_space<semaphore_mem>>)
    %add3A_7 = arith.constant 512 : i32
    %add3A_8 = arith.addi %mul3A_2, %add3A_7 : i32
    "tpu.region"() ({
      %run_scoped3A = tpu.sem_alloc : memref<!tpu.dma_semaphore, #tpu.memory_space<semaphore_mem>>
      %dma_start3A_29 = tpu.memref_slice %arg2[%add3A_8] : memref<819200xi32, #tpu.memory_space<hbm>> -> memref<512xi32, #tpu.memory_space<hbm>>
      %dma_start3A_30 = tpu.memref_slice %arg2[%add3A_8] : memref<819200xi32, #tpu.memory_space<hbm>> -> memref<512xi32, #tpu.memory_space<hbm>>
      tpu.enqueue_dma source(%dma_start3A_30 : memref<512xi32, #tpu.memory_space<hbm>>) target(%arg6 : memref<512xi32, #tpu.memory_space<vmem>>) target_semaphore(%run_scoped3A : memref<!tpu.dma_semaphore, #tpu.memory_space<semaphore_mem>>)
      %dma_wait3A_31 = tpu.memref_slice %arg2[%add3A_8] : memref<819200xi32, #tpu.memory_space<hbm>> -> memref<512xi32, #tpu.memory_space<hbm>>
      %dma_wait3A_32 = tpu.memref_slice %arg2[%add3A_8] : memref<819200xi32, #tpu.memory_space<hbm>> -> memref<512xi32, #tpu.memory_space<hbm>>
      tpu.wait_dma2 semaphore(%run_scoped3A : memref<!tpu.dma_semaphore, #tpu.memory_space<semaphore_mem>>) src(%dma_wait3A_32 : memref<512xi32, #tpu.memory_space<hbm>>) dst(%arg6 : memref<512xi32, #tpu.memory_space<vmem>>)
      tpu.yield
    }) : () -> ()
    %dma_start3A_9 = arith.constant 0 : i32
    %dma_start3A_10 = arith.constant 0 : i32
    %dma_start3A_11 = tpu.memref_slice %arg3[%dma_start3A_9, %dma_start3A_10] : memref<1000000x64xf32, #tpu.memory_space<hbm>> -> memref<1000000x64xf32, #tpu.memory_space<hbm>>
    tpu.enqueue_indirect_dma source(%dma_start3A_11 : memref<1000000x64xf32, #tpu.memory_space<hbm>>) target(%arg8 : memref<512x64xf32, #tpu.memory_space<vmem>>) offsets(%arg6 : memref<512xi32, #tpu.memory_space<vmem>>) semaphore(%arg10 : memref<!tpu.dma_semaphore, #tpu.memory_space<semaphore_mem>>)
    %scan3A = arith.constant 0 : i32
    %scan3A_12 = arith.constant 0 : i32
    %scan3A_13 = arith.constant 25 : i32
    %scan3A_14 = arith.addi %scan3A_12, %scan3A_13 : i32
    %scan3A_15 = arith.constant 1 : i32
    %scan3A_16 = scf.for %scan3A_29 = %scan3A_12 to %scan3A_14 step %scan3A_15 iter_args(%scan3A_30 = %scan3A) -> (i32)  : i32 {
      %mul3A_31 = arith.constant 2 : i32
      %mul3A_32 = arith.muli %scan3A_29, %mul3A_31 : i32
      %add3A_33 = arith.constant 0 : i32
      %add3A_34 = arith.addi %mul3A_32, %add3A_33 : i32
      %dma_wait3A_35 = arith.constant 0 : i32
      %dma_wait3A_36 = arith.constant 0 : i32
      %dma_wait3A_37 = tpu.memref_slice %arg3[%dma_wait3A_35, %dma_wait3A_36] : memref<1000000x64xf32, #tpu.memory_space<hbm>> -> memref<1000000x64xf32, #tpu.memory_space<hbm>>
      tpu.wait_indirect_dma semaphore(%arg9 : memref<!tpu.dma_semaphore, #tpu.memory_space<semaphore_mem>>) src(%dma_wait3A_37 : memref<1000000x64xf32, #tpu.memory_space<hbm>>) dst(%arg7 : memref<512x64xf32, #tpu.memory_space<vmem>>)
      %scan3A_38 = arith.constant 0 : i32
      %scan3A_39 = arith.constant 0 : i32
      %scan3A_40 = arith.constant 512 : i32
      %scan3A_41 = arith.addi %scan3A_39, %scan3A_40 : i32
      %scan3A_42 = arith.constant 4 : i32
      %scan3A_43 = scf.for %scan3A_85 = %scan3A_39 to %scan3A_41 step %scan3A_42 iter_args(%scan3A_86 = %scan3A_38) -> (i32)  : i32 {
        %get3A = arith.index_cast %scan3A_85 : i32 to index
        %get3A_87 = arith.constant 0 : index
        %get3A_88 = tpu.vector_load %arg7[%get3A, %get3A_87] {strides = array<i32>} : memref<512x64xf32, #tpu.memory_space<vmem>>, vector<1x16xf32>,
        %get3A_89 = vector.shape_cast %get3A_88 : vector<1x16xf32> to vector<16xf32>
        %mul3A_90 = arith.constant 8.000000e+00 : f32
        %mul3A_91 = vector.broadcast %mul3A_90 : f32 to vector<16xf32>
        %mul3A_92 = arith.mulf %get3A_89, %mul3A_91 : vector<16xf32>
        %swap3A = arith.index_cast %scan3A_85 : i32 to index
        %swap3A_93 = arith.constant 0 : index
        %swap3A_94 = tpu.vector_load %arg7[%swap3A, %swap3A_93] {strides = array<i32>} : memref<512x64xf32, #tpu.memory_space<vmem>>, vector<1x16xf32>,
        %swap3A_95 = vector.shape_cast %swap3A_94 : vector<1x16xf32> to vector<16xf32>
        %swap3A_96 = vector.shape_cast %mul3A_92 : vector<16xf32> to vector<1x16xf32>
        tpu.vector_store %arg7[%swap3A, %swap3A_93], %swap3A_96 {strides = array<i32>} : memref<512x64xf32, #tpu.memory_space<vmem>>, vector<1x16xf32>,
        %get3A_97 = arith.index_cast %scan3A_85 : i32 to index
        %get3A_98 = arith.constant 16 : index
        %get3A_99 = tpu.vector_load %arg7[%get3A_97, %get3A_98] {strides = array<i32>} : memref<512x64xf32, #tpu.memory_space<vmem>>, vector<1x16xf32>,
        %get3A_100 = vector.shape_cast %get3A_99 : vector<1x16xf32> to vector<16xf32>
        %mul3A_101 = arith.constant 8.000000e+00 : f32
        %mul3A_102 = vector.broadcast %mul3A_101 : f32 to vector<16xf32>
        %mul3A_103 = arith.mulf %get3A_100, %mul3A_102 : vector<16xf32>
        %swap3A_104 = arith.index_cast %scan3A_85 : i32 to index
        %swap3A_105 = arith.constant 16 : index
        %swap3A_106 = tpu.vector_load %arg7[%swap3A_104, %swap3A_105] {strides = array<i32>} : memref<512x64xf32, #tpu.memory_space<vmem>>, vector<1x16xf32>,
        %swap3A_107 = vector.shape_cast %swap3A_106 : vector<1x16xf32> to vector<16xf32>
        %swap3A_108 = vector.shape_cast %mul3A_103 : vector<16xf32> to vector<1x16xf32>
        tpu.vector_store %arg7[%swap3A_104, %swap3A_105], %swap3A_108 {strides = array<i32>} : memref<512x64xf32, #tpu.memory_space<vmem>>, vector<1x16xf32>,
        %get3A_109 = arith.index_cast %scan3A_85 : i32 to index
        %get3A_110 = arith.constant 32 : index
        %get3A_111 = tpu.vector_load %arg7[%get3A_109, %get3A_110] {strides = array<i32>} : memref<512x64xf32, #tpu.memory_space<vmem>>, vector<1x16xf32>,
        %get3A_112 = vector.shape_cast %get3A_111 : vector<1x16xf32> to vector<16xf32>
        %mul3A_113 = arith.constant 8.000000e+00 : f32
        %mul3A_114 = vector.broadcast %mul3A_113 : f32 to vector<16xf32>
        %mul3A_115 = arith.mulf %get3A_112, %mul3A_114 : vector<16xf32>
        %swap3A_116 = arith.index_cast %scan3A_85 : i32 to index
        %swap3A_117 = arith.constant 32 : index
        %swap3A_118 = tpu.vector_load %arg7[%swap3A_116, %swap3A_117] {strides = array<i32>} : memref<512x64xf32, #tpu.memory_space<vmem>>, vector<1x16xf32>,
        %swap3A_119 = vector.shape_cast %swap3A_118 : vector<1x16xf32> to vector<16xf32>
        %swap3A_120 = vector.shape_cast %mul3A_115 : vector<16xf32> to vector<1x16xf32>
        tpu.vector_store %arg7[%swap3A_116, %swap3A_117], %swap3A_120 {strides = array<i32>} : memref<512x64xf32, #tpu.memory_space<vmem>>, vector<1x16xf32>,
        %get3A_121 = arith.index_cast %scan3A_85 : i32 to index
        %get3A_122 = arith.constant 48 : index
        %get3A_123 = tpu.vector_load %arg7[%get3A_121, %get3A_122] {strides = array<i32>} : memref<512x64xf32, #tpu.memory_space<vmem>>, vector<1x16xf32>,
        %get3A_124 = vector.shape_cast %get3A_123 : vector<1x16xf32> to vector<16xf32>
        %mul3A_125 = arith.constant 8.000000e+00 : f32
        %mul3A_126 = vector.broadcast %mul3A_125 : f32 to vector<16xf32>
        %mul3A_127 = arith.mulf %get3A_124, %mul3A_126 : vector<16xf32>
        %swap3A_128 = arith.index_cast %scan3A_85 : i32 to index
        %swap3A_129 = arith.constant 48 : index
        %swap3A_130 = tpu.vector_load %arg7[%swap3A_128, %swap3A_129] {strides = array<i32>} : memref<512x64xf32, #tpu.memory_space<vmem>>, vector<1x16xf32>,
        %swap3A_131 = vector.shape_cast %swap3A_130 : vector<1x16xf32> to vector<16xf32>
        %swap3A_132 = vector.shape_cast %mul3A_127 : vector<16xf32> to vector<1x16xf32>
        tpu.vector_store %arg7[%swap3A_128, %swap3A_129], %swap3A_132 {strides = array<i32>} : memref<512x64xf32, #tpu.memory_space<vmem>>, vector<1x16xf32>,
        %scan3A_133 = arith.constant 0 : i32
        %scan3A_134 = arith.constant 1 : i32
        %scan3A_135 = arith.addi %scan3A_85, %scan3A_134 : i32
        %get3A_136 = arith.index_cast %scan3A_135 : i32 to index
        %get3A_137 = arith.constant 0 : index
        %get3A_138 = tpu.vector_load %arg7[%get3A_136, %get3A_137] {strides = array<i32>} : memref<512x64xf32, #tpu.memory_space<vmem>>, vector<1x16xf32>,
        %get3A_139 = vector.shape_cast %get3A_138 : vector<1x16xf32> to vector<16xf32>
        %mul3A_140 = arith.constant 8.000000e+00 : f32
        %mul3A_141 = vector.broadcast %mul3A_140 : f32 to vector<16xf32>
        %mul3A_142 = arith.mulf %get3A_139, %mul3A_141 : vector<16xf32>
        %swap3A_143 = arith.index_cast %scan3A_135 : i32 to index
        %swap3A_144 = arith.constant 0 : index
        %swap3A_145 = tpu.vector_load %arg7[%swap3A_143, %swap3A_144] {strides = array<i32>} : memref<512x64xf32, #tpu.memory_space<vmem>>, vector<1x16xf32>,
        %swap3A_146 = vector.shape_cast %swap3A_145 : vector<1x16xf32> to vector<16xf32>
        %swap3A_147 = vector.shape_cast %mul3A_142 : vector<16xf32> to vector<1x16xf32>
        tpu.vector_store %arg7[%swap3A_143, %swap3A_144], %swap3A_147 {strides = array<i32>} : memref<512x64xf32, #tpu.memory_space<vmem>>, vector<1x16xf32>,
        %get3A_148 = arith.index_cast %scan3A_135 : i32 to index
        %get3A_149 = arith.constant 16 : index
        %get3A_150 = tpu.vector_load %arg7[%get3A_148, %get3A_149] {strides = array<i32>} : memref<512x64xf32, #tpu.memory_space<vmem>>, vector<1x16xf32>,
        %get3A_151 = vector.shape_cast %get3A_150 : vector<1x16xf32> to vector<16xf32>
        %mul3A_152 = arith.constant 8.000000e+00 : f32
        %mul3A_153 = vector.broadcast %mul3A_152 : f32 to vector<16xf32>
        %mul3A_154 = arith.mulf %get3A_151, %mul3A_153 : vector<16xf32>
        %swap3A_155 = arith.index_cast %scan3A_135 : i32 to index
        %swap3A_156 = arith.constant 16 : index
        %swap3A_157 = tpu.vector_load %arg7[%swap3A_155, %swap3A_156] {strides = array<i32>} : memref<512x64xf32, #tpu.memory_space<vmem>>, vector<1x16xf32>,
        %swap3A_158 = vector.shape_cast %swap3A_157 : vector<1x16xf32> to vector<16xf32>
        %swap3A_159 = vector.shape_cast %mul3A_154 : vector<16xf32> to vector<1x16xf32>
        tpu.vector_store %arg7[%swap3A_155, %swap3A_156], %swap3A_159 {strides = array<i32>} : memref<512x64xf32, #tpu.memory_space<vmem>>, vector<1x16xf32>,
        %get3A_160 = arith.index_cast %scan3A_135 : i32 to index
        %get3A_161 = arith.constant 32 : index
        %get3A_162 = tpu.vector_load %arg7[%get3A_160, %get3A_161] {strides = array<i32>} : memref<512x64xf32, #tpu.memory_space<vmem>>, vector<1x16xf32>,
        %get3A_163 = vector.shape_cast %get3A_162 : vector<1x16xf32> to vector<16xf32>
        %mul3A_164 = arith.constant 8.000000e+00 : f32
        %mul3A_165 = vector.broadcast %mul3A_164 : f32 to vector<16xf32>
        %mul3A_166 = arith.mulf %get3A_163, %mul3A_165 : vector<16xf32>
        %swap3A_167 = arith.index_cast %scan3A_135 : i32 to index
        %swap3A_168 = arith.constant 32 : index
        %swap3A_169 = tpu.vector_load %arg7[%swap3A_167, %swap3A_168] {strides = array<i32>} : memref<512x64xf32, #tpu.memory_space<vmem>>, vector<1x16xf32>,
        %swap3A_170 = vector.shape_cast %swap3A_169 : vector<1x16xf32> to vector<16xf32>
        %swap3A_171 = vector.shape_cast %mul3A_166 : vector<16xf32> to vector<1x16xf32>
        tpu.vector_store %arg7[%swap3A_167, %swap3A_168], %swap3A_171 {strides = array<i32>} : memref<512x64xf32, #tpu.memory_space<vmem>>, vector<1x16xf32>,
        %get3A_172 = arith.index_cast %scan3A_135 : i32 to index
        %get3A_173 = arith.constant 48 : index
        %get3A_174 = tpu.vector_load %arg7[%get3A_172, %get3A_173] {strides = array<i32>} : memref<512x64xf32, #tpu.memory_space<vmem>>, vector<1x16xf32>,
        %get3A_175 = vector.shape_cast %get3A_174 : vector<1x16xf32> to vector<16xf32>
        %mul3A_176 = arith.constant 8.000000e+00 : f32
        %mul3A_177 = vector.broadcast %mul3A_176 : f32 to vector<16xf32>
        %mul3A_178 = arith.mulf %get3A_175, %mul3A_177 : vector<16xf32>
        %swap3A_179 = arith.index_cast %scan3A_135 : i32 to index
        %swap3A_180 = arith.constant 48 : index
        %swap3A_181 = tpu.vector_load %arg7[%swap3A_179, %swap3A_180] {strides = array<i32>} : memref<512x64xf32, #tpu.memory_space<vmem>>, vector<1x16xf32>,
        %swap3A_182 = vector.shape_cast %swap3A_181 : vector<1x16xf32> to vector<16xf32>
        %swap3A_183 = vector.shape_cast %mul3A_178 : vector<16xf32> to vector<1x16xf32>
        tpu.vector_store %arg7[%swap3A_179, %swap3A_180], %swap3A_183 {strides = array<i32>} : memref<512x64xf32, #tpu.memory_space<vmem>>, vector<1x16xf32>,
        %scan3A_184 = arith.constant 0 : i32
        %scan3A_185 = arith.constant 2 : i32
        %scan3A_186 = arith.addi %scan3A_85, %scan3A_185 : i32
        %get3A_187 = arith.index_cast %scan3A_186 : i32 to index
        %get3A_188 = arith.constant 0 : index
        %get3A_189 = tpu.vector_load %arg7[%get3A_187, %get3A_188] {strides = array<i32>} : memref<512x64xf32, #tpu.memory_space<vmem>>, vector<1x16xf32>,
        %get3A_190 = vector.shape_cast %get3A_189 : vector<1x16xf32> to vector<16xf32>
        %mul3A_191 = arith.constant 8.000000e+00 : f32
        %mul3A_192 = vector.broadcast %mul3A_191 : f32 to vector<16xf32>
        %mul3A_193 = arith.mulf %get3A_190, %mul3A_192 : vector<16xf32>
        %swap3A_194 = arith.index_cast %scan3A_186 : i32 to index
        %swap3A_195 = arith.constant 0 : index
        %swap3A_196 = tpu.vector_load %arg7[%swap3A_194, %swap3A_195] {strides = array<i32>} : memref<512x64xf32, #tpu.memory_space<vmem>>, vector<1x16xf32>,
        %swap3A_197 = vector.shape_cast %swap3A_196 : vector<1x16xf32> to vector<16xf32>
        %swap3A_198 = vector.shape_cast %mul3A_193 : vector<16xf32> to vector<1x16xf32>
        tpu.vector_store %arg7[%swap3A_194, %swap3A_195], %swap3A_198 {strides = array<i32>} : memref<512x64xf32, #tpu.memory_space<vmem>>, vector<1x16xf32>,
        %get3A_199 = arith.index_cast %scan3A_186 : i32 to index
        %get3A_200 = arith.constant 16 : index
        %get3A_201 = tpu.vector_load %arg7[%get3A_199, %get3A_200] {strides = array<i32>} : memref<512x64xf32, #tpu.memory_space<vmem>>, vector<1x16xf32>,
        %get3A_202 = vector.shape_cast %get3A_201 : vector<1x16xf32> to vector<16xf32>
        %mul3A_203 = arith.constant 8.000000e+00 : f32
        %mul3A_204 = vector.broadcast %mul3A_203 : f32 to vector<16xf32>
        %mul3A_205 = arith.mulf %get3A_202, %mul3A_204 : vector<16xf32>
        %swap3A_206 = arith.index_cast %scan3A_186 : i32 to index
        %swap3A_207 = arith.constant 16 : index
        %swap3A_208 = tpu.vector_load %arg7[%swap3A_206, %swap3A_207] {strides = array<i32>} : memref<512x64xf32, #tpu.memory_space<vmem>>, vector<1x16xf32>,
        %swap3A_209 = vector.shape_cast %swap3A_208 : vector<1x16xf32> to vector<16xf32>
        %swap3A_210 = vector.shape_cast %mul3A_205 : vector<16xf32> to vector<1x16xf32>
        tpu.vector_store %arg7[%swap3A_206, %swap3A_207], %swap3A_210 {strides = array<i32>} : memref<512x64xf32, #tpu.memory_space<vmem>>, vector<1x16xf32>,
        %get3A_211 = arith.index_cast %scan3A_186 : i32 to index
        %get3A_212 = arith.constant 32 : index
        %get3A_213 = tpu.vector_load %arg7[%get3A_211, %get3A_212] {strides = array<i32>} : memref<512x64xf32, #tpu.memory_space<vmem>>, vector<1x16xf32>,
        %get3A_214 = vector.shape_cast %get3A_213 : vector<1x16xf32> to vector<16xf32>
        %mul3A_215 = arith.constant 8.000000e+00 : f32
        %mul3A_216 = vector.broadcast %mul3A_215 : f32 to vector<16xf32>
        %mul3A_217 = arith.mulf %get3A_214, %mul3A_216 : vector<16xf32>
        %swap3A_218 = arith.index_cast %scan3A_186 : i32 to index
        %swap3A_219 = arith.constant 32 : index
        %swap3A_220 = tpu.vector_load %arg7[%swap3A_218, %swap3A_219] {strides = array<i32>} : memref<512x64xf32, #tpu.memory_space<vmem>>, vector<1x16xf32>,
        %swap3A_221 = vector.shape_cast %swap3A_220 : vector<1x16xf32> to vector<16xf32>
        %swap3A_222 = vector.shape_cast %mul3A_217 : vector<16xf32> to vector<1x16xf32>
        tpu.vector_store %arg7[%swap3A_218, %swap3A_219], %swap3A_222 {strides = array<i32>} : memref<512x64xf32, #tpu.memory_space<vmem>>, vector<1x16xf32>,
        %get3A_223 = arith.index_cast %scan3A_186 : i32 to index
        %get3A_224 = arith.constant 48 : index
        %get3A_225 = tpu.vector_load %arg7[%get3A_223, %get3A_224] {strides = array<i32>} : memref<512x64xf32, #tpu.memory_space<vmem>>, vector<1x16xf32>,
        %get3A_226 = vector.shape_cast %get3A_225 : vector<1x16xf32> to vector<16xf32>
        %mul3A_227 = arith.constant 8.000000e+00 : f32
        %mul3A_228 = vector.broadcast %mul3A_227 : f32 to vector<16xf32>
        %mul3A_229 = arith.mulf %get3A_226, %mul3A_228 : vector<16xf32>
        %swap3A_230 = arith.index_cast %scan3A_186 : i32 to index
        %swap3A_231 = arith.constant 48 : index
        %swap3A_232 = tpu.vector_load %arg7[%swap3A_230, %swap3A_231] {strides = array<i32>} : memref<512x64xf32, #tpu.memory_space<vmem>>, vector<1x16xf32>,
        %swap3A_233 = vector.shape_cast %swap3A_232 : vector<1x16xf32> to vector<16xf32>
        %swap3A_234 = vector.shape_cast %mul3A_229 : vector<16xf32> to vector<1x16xf32>
        tpu.vector_store %arg7[%swap3A_230, %swap3A_231], %swap3A_234 {strides = array<i32>} : memref<512x64xf32, #tpu.memory_space<vmem>>, vector<1x16xf32>,
        %scan3A_235 = arith.constant 0 : i32
        %scan3A_236 = arith.constant 3 : i32
        %scan3A_237 = arith.addi %scan3A_85, %scan3A_236 : i32
        %get3A_238 = arith.index_cast %scan3A_237 : i32 to index
        %get3A_239 = arith.constant 0 : index
        %get3A_240 = tpu.vector_load %arg7[%get3A_238, %get3A_239] {strides = array<i32>} : memref<512x64xf32, #tpu.memory_space<vmem>>, vector<1x16xf32>,
        %get3A_241 = vector.shape_cast %get3A_240 : vector<1x16xf32> to vector<16xf32>
        %mul3A_242 = arith.constant 8.000000e+00 : f32
        %mul3A_243 = vector.broadcast %mul3A_242 : f32 to vector<16xf32>
        %mul3A_244 = arith.mulf %get3A_241, %mul3A_243 : vector<16xf32>
        %swap3A_245 = arith.index_cast %scan3A_237 : i32 to index
        %swap3A_246 = arith.constant 0 : index
        %swap3A_247 = tpu.vector_load %arg7[%swap3A_245, %swap3A_246] {strides = array<i32>} : memref<512x64xf32, #tpu.memory_space<vmem>>, vector<1x16xf32>,
        %swap3A_248 = vector.shape_cast %swap3A_247 : vector<1x16xf32> to vector<16xf32>
        %swap3A_249 = vector.shape_cast %mul3A_244 : vector<16xf32> to vector<1x16xf32>
        tpu.vector_store %arg7[%swap3A_245, %swap3A_246], %swap3A_249 {strides = array<i32>} : memref<512x64xf32, #tpu.memory_space<vmem>>, vector<1x16xf32>,
        %get3A_250 = arith.index_cast %scan3A_237 : i32 to index
        %get3A_251 = arith.constant 16 : index
        %get3A_252 = tpu.vector_load %arg7[%get3A_250, %get3A_251] {strides = array<i32>} : memref<512x64xf32, #tpu.memory_space<vmem>>, vector<1x16xf32>,
        %get3A_253 = vector.shape_cast %get3A_252 : vector<1x16xf32> to vector<16xf32>
        %mul3A_254 = arith.constant 8.000000e+00 : f32
        %mul3A_255 = vector.broadcast %mul3A_254 : f32 to vector<16xf32>
        %mul3A_256 = arith.mulf %get3A_253, %mul3A_255 : vector<16xf32>
        %swap3A_257 = arith.index_cast %scan3A_237 : i32 to index
        %swap3A_258 = arith.constant 16 : index
        %swap3A_259 = tpu.vector_load %arg7[%swap3A_257, %swap3A_258] {strides = array<i32>} : memref<512x64xf32, #tpu.memory_space<vmem>>, vector<1x16xf32>,
        %swap3A_260 = vector.shape_cast %swap3A_259 : vector<1x16xf32> to vector<16xf32>
        %swap3A_261 = vector.shape_cast %mul3A_256 : vector<16xf32> to vector<1x16xf32>
        tpu.vector_store %arg7[%swap3A_257, %swap3A_258], %swap3A_261 {strides = array<i32>} : memref<512x64xf32, #tpu.memory_space<vmem>>, vector<1x16xf32>,
        %get3A_262 = arith.index_cast %scan3A_237 : i32 to index
        %get3A_263 = arith.constant 32 : index
        %get3A_264 = tpu.vector_load %arg7[%get3A_262, %get3A_263] {strides = array<i32>} : memref<512x64xf32, #tpu.memory_space<vmem>>, vector<1x16xf32>,
        %get3A_265 = vector.shape_cast %get3A_264 : vector<1x16xf32> to vector<16xf32>
        %mul3A_266 = arith.constant 8.000000e+00 : f32
        %mul3A_267 = vector.broadcast %mul3A_266 : f32 to vector<16xf32>
        %mul3A_268 = arith.mulf %get3A_265, %mul3A_267 : vector<16xf32>
        %swap3A_269 = arith.index_cast %scan3A_237 : i32 to index
        %swap3A_270 = arith.constant 32 : index
        %swap3A_271 = tpu.vector_load %arg7[%swap3A_269, %swap3A_270] {strides = array<i32>} : memref<512x64xf32, #tpu.memory_space<vmem>>, vector<1x16xf32>,
        %swap3A_272 = vector.shape_cast %swap3A_271 : vector<1x16xf32> to vector<16xf32>
        %swap3A_273 = vector.shape_cast %mul3A_268 : vector<16xf32> to vector<1x16xf32>
        tpu.vector_store %arg7[%swap3A_269, %swap3A_270], %swap3A_273 {strides = array<i32>} : memref<512x64xf32, #tpu.memory_space<vmem>>, vector<1x16xf32>,
        %get3A_274 = arith.index_cast %scan3A_237 : i32 to index
        %get3A_275 = arith.constant 48 : index
        %get3A_276 = tpu.vector_load %arg7[%get3A_274, %get3A_275] {strides = array<i32>} : memref<512x64xf32, #tpu.memory_space<vmem>>, vector<1x16xf32>,
        %get3A_277 = vector.shape_cast %get3A_276 : vector<1x16xf32> to vector<16xf32>
        %mul3A_278 = arith.constant 8.000000e+00 : f32
        %mul3A_279 = vector.broadcast %mul3A_278 : f32 to vector<16xf32>
        %mul3A_280 = arith.mulf %get3A_277, %mul3A_279 : vector<16xf32>
        %swap3A_281 = arith.index_cast %scan3A_237 : i32 to index
        %swap3A_282 = arith.constant 48 : index
        %swap3A_283 = tpu.vector_load %arg7[%swap3A_281, %swap3A_282] {strides = array<i32>} : memref<512x64xf32, #tpu.memory_space<vmem>>, vector<1x16xf32>,
        %swap3A_284 = vector.shape_cast %swap3A_283 : vector<1x16xf32> to vector<16xf32>
        %swap3A_285 = vector.shape_cast %mul3A_280 : vector<16xf32> to vector<1x16xf32>
        tpu.vector_store %arg7[%swap3A_281, %swap3A_282], %swap3A_285 {strides = array<i32>} : memref<512x64xf32, #tpu.memory_space<vmem>>, vector<1x16xf32>,
        %scan3A_286 = arith.constant 0 : i32
        scf.yield %scan3A_286 : i32
      }
      %scan3A_44 = arith.constant 512 : i32
      %mul3A_45 = arith.constant 512 : i32
      %mul3A_46 = arith.muli %add3A_34, %mul3A_45 : i32
      %add3A_47 = arith.addi %mul3A_2, %mul3A_46 : i32
      %dma_start3A_48 = arith.constant 0 : i32
      %dma_start3A_49 = tpu.memref_slice %arg4[%add3A_47, %dma_start3A_48] : memref<819200x64xf32, #tpu.memory_space<hbm>> -> memref<512x64xf32, #tpu.memory_space<hbm>>
      %dma_start3A_50 = arith.constant 0 : i32
      %dma_start3A_51 = tpu.memref_slice %arg4[%add3A_47, %dma_start3A_50] : memref<819200x64xf32, #tpu.memory_space<hbm>> -> memref<512x64xf32, #tpu.memory_space<hbm>>
      tpu.enqueue_dma source(%arg7 : memref<512x64xf32, #tpu.memory_space<vmem>>) target(%dma_start3A_51 : memref<512x64xf32, #tpu.memory_space<hbm>>) target_semaphore(%arg11 : memref<!tpu.dma_semaphore, #tpu.memory_space<semaphore_mem>>)
      %add3A_52 = arith.constant 2 : i32
      %add3A_53 = arith.addi %add3A_34, %add3A_52 : i32
      %lt3A = arith.constant 50 : i32
      %lt3A_54 = arith.cmpi slt, %add3A_53, %lt3A : i32
      %convert_element_type3A = arith.extui %lt3A_54 : i1 to i32
      %cond3A = arith.constant 0 : i32
      %cond3A_55 = arith.cmpi ne, %convert_element_type3A, %cond3A : i32
      scf.if %cond3A_55 {
        %add3A_85 = arith.constant 2 : i32
        %add3A_86 = arith.addi %add3A_34, %add3A_85 : i32
        %mul3A_87 = arith.constant 512 : i32
        %mul3A_88 = arith.muli %add3A_86, %mul3A_87 : i32
        %add3A_89 = arith.addi %mul3A_2, %mul3A_88 : i32
        "tpu.region"() ({
          %run_scoped3A = tpu.sem_alloc : memref<!tpu.dma_semaphore, #tpu.memory_space<semaphore_mem>>
          %dma_start3A_97 = tpu.memref_slice %arg2[%add3A_89] : memref<819200xi32, #tpu.memory_space<hbm>> -> memref<512xi32, #tpu.memory_space<hbm>>
          %dma_start3A_98 = tpu.memref_slice %arg2[%add3A_89] : memref<819200xi32, #tpu.memory_space<hbm>> -> memref<512xi32, #tpu.memory_space<hbm>>
          tpu.enqueue_dma source(%dma_start3A_98 : memref<512xi32, #tpu.memory_space<hbm>>) target(%arg5 : memref<512xi32, #tpu.memory_space<vmem>>) target_semaphore(%run_scoped3A : memref<!tpu.dma_semaphore, #tpu.memory_space<semaphore_mem>>)
          %dma_wait3A_99 = tpu.memref_slice %arg2[%add3A_89] : memref<819200xi32, #tpu.memory_space<hbm>> -> memref<512xi32, #tpu.memory_space<hbm>>
          %dma_wait3A_100 = tpu.memref_slice %arg2[%add3A_89] : memref<819200xi32, #tpu.memory_space<hbm>> -> memref<512xi32, #tpu.memory_space<hbm>>
          tpu.wait_dma2 semaphore(%run_scoped3A : memref<!tpu.dma_semaphore, #tpu.memory_space<semaphore_mem>>) src(%dma_wait3A_100 : memref<512xi32, #tpu.memory_space<hbm>>) dst(%arg5 : memref<512xi32, #tpu.memory_space<vmem>>)
          tpu.yield
        }) : () -> ()
        %dma_wait3A_90 = arith.constant 0 : i32
        %dma_wait3A_91 = tpu.memref_slice %arg4[%add3A_47, %dma_wait3A_90] : memref<819200x64xf32, #tpu.memory_space<hbm>> -> memref<512x64xf32, #tpu.memory_space<hbm>>
        %dma_wait3A_92 = arith.constant 0 : i32
        %dma_wait3A_93 = tpu.memref_slice %arg4[%add3A_47, %dma_wait3A_92] : memref<819200x64xf32, #tpu.memory_space<hbm>> -> memref<512x64xf32, #tpu.memory_space<hbm>>
        tpu.wait_dma2 semaphore(%arg11 : memref<!tpu.dma_semaphore, #tpu.memory_space<semaphore_mem>>) src(%arg7 : memref<512x64xf32, #tpu.memory_space<vmem>>) dst(%dma_wait3A_93 : memref<512x64xf32, #tpu.memory_space<hbm>>)
        %dma_start3A_94 = arith.constant 0 : i32
        %dma_start3A_95 = arith.constant 0 : i32
        %dma_start3A_96 = tpu.memref_slice %arg3[%dma_start3A_94, %dma_start3A_95] : memref<1000000x64xf32, #tpu.memory_space<hbm>> -> memref<1000000x64xf32, #tpu.memory_space<hbm>>
        tpu.enqueue_indirect_dma source(%dma_start3A_96 : memref<1000000x64xf32, #tpu.memory_space<hbm>>) target(%arg7 : memref<512x64xf32, #tpu.memory_space<vmem>>) offsets(%arg5 : memref<512xi32, #tpu.memory_space<vmem>>) semaphore(%arg9 : memref<!tpu.dma_semaphore, #tpu.memory_space<semaphore_mem>>)
      } else {
      }
      %mul3A_56 = arith.constant 2 : i32
      %mul3A_57 = arith.muli %scan3A_29, %mul3A_56 : i32
      %add3A_58 = arith.constant 1 : i32
      %add3A_59 = arith.addi %mul3A_57, %add3A_58 : i32
      %dma_wait3A_60 = arith.constant 0 : i32
      %dma_wait3A_61 = arith.constant 0 : i32
      %dma_wait3A_62 = tpu.memref_slice %arg3[%dma_wait3A_60, %dma_wait3A_61] : memref<1000000x64xf32, #tpu.memory_space<hbm>> -> memref<1000000x64xf32, #tpu.memory_space<hbm>>
      tpu.wait_indirect_dma semaphore(%arg10 : memref<!tpu.dma_semaphore, #tpu.memory_space<semaphore_mem>>) src(%dma_wait3A_62 : memref<1000000x64xf32, #tpu.memory_space<hbm>>) dst(%arg8 : memref<512x64xf32, #tpu.memory_space<vmem>>)
      %scan3A_63 = arith.constant 0 : i32
      %scan3A_64 = arith.constant 0 : i32
      %scan3A_65 = arith.constant 512 : i32
      %scan3A_66 = arith.addi %scan3A_64, %scan3A_65 : i32
      %scan3A_67 = arith.constant 4 : i32
      %scan3A_68 = scf.for %scan3A_85 = %scan3A_64 to %scan3A_66 step %scan3A_67 iter_args(%scan3A_86 = %scan3A_63) -> (i32)  : i32 {
        %get3A = arith.index_cast %scan3A_85 : i32 to index
        %get3A_87 = arith.constant 0 : index
        %get3A_88 = tpu.vector_load %arg8[%get3A, %get3A_87] {strides = array<i32>} : memref<512x64xf32, #tpu.memory_space<vmem>>, vector<1x16xf32>,
        %get3A_89 = vector.shape_cast %get3A_88 : vector<1x16xf32> to vector<16xf32>
        %mul3A_90 = arith.constant 8.000000e+00 : f32
        %mul3A_91 = vector.broadcast %mul3A_90 : f32 to vector<16xf32>
        %mul3A_92 = arith.mulf %get3A_89, %mul3A_91 : vector<16xf32>
        %swap3A = arith.index_cast %scan3A_85 : i32 to index
        %swap3A_93 = arith.constant 0 : index
        %swap3A_94 = tpu.vector_load %arg8[%swap3A, %swap3A_93] {strides = array<i32>} : memref<512x64xf32, #tpu.memory_space<vmem>>, vector<1x16xf32>,
        %swap3A_95 = vector.shape_cast %swap3A_94 : vector<1x16xf32> to vector<16xf32>
        %swap3A_96 = vector.shape_cast %mul3A_92 : vector<16xf32> to vector<1x16xf32>
        tpu.vector_store %arg8[%swap3A, %swap3A_93], %swap3A_96 {strides = array<i32>} : memref<512x64xf32, #tpu.memory_space<vmem>>, vector<1x16xf32>,
        %get3A_97 = arith.index_cast %scan3A_85 : i32 to index
        %get3A_98 = arith.constant 16 : index
        %get3A_99 = tpu.vector_load %arg8[%get3A_97, %get3A_98] {strides = array<i32>} : memref<512x64xf32, #tpu.memory_space<vmem>>, vector<1x16xf32>,
        %get3A_100 = vector.shape_cast %get3A_99 : vector<1x16xf32> to vector<16xf32>
        %mul3A_101 = arith.constant 8.000000e+00 : f32
        %mul3A_102 = vector.broadcast %mul3A_101 : f32 to vector<16xf32>
        %mul3A_103 = arith.mulf %get3A_100, %mul3A_102 : vector<16xf32>
        %swap3A_104 = arith.index_cast %scan3A_85 : i32 to index
        %swap3A_105 = arith.constant 16 : index
        %swap3A_106 = tpu.vector_load %arg8[%swap3A_104, %swap3A_105] {strides = array<i32>} : memref<512x64xf32, #tpu.memory_space<vmem>>, vector<1x16xf32>,
        %swap3A_107 = vector.shape_cast %swap3A_106 : vector<1x16xf32> to vector<16xf32>
        %swap3A_108 = vector.shape_cast %mul3A_103 : vector<16xf32> to vector<1x16xf32>
        tpu.vector_store %arg8[%swap3A_104, %swap3A_105], %swap3A_108 {strides = array<i32>} : memref<512x64xf32, #tpu.memory_space<vmem>>, vector<1x16xf32>,
        %get3A_109 = arith.index_cast %scan3A_85 : i32 to index
        %get3A_110 = arith.constant 32 : index
        %get3A_111 = tpu.vector_load %arg8[%get3A_109, %get3A_110] {strides = array<i32>} : memref<512x64xf32, #tpu.memory_space<vmem>>, vector<1x16xf32>,
        %get3A_112 = vector.shape_cast %get3A_111 : vector<1x16xf32> to vector<16xf32>
        %mul3A_113 = arith.constant 8.000000e+00 : f32
        %mul3A_114 = vector.broadcast %mul3A_113 : f32 to vector<16xf32>
        %mul3A_115 = arith.mulf %get3A_112, %mul3A_114 : vector<16xf32>
        %swap3A_116 = arith.index_cast %scan3A_85 : i32 to index
        %swap3A_117 = arith.constant 32 : index
        %swap3A_118 = tpu.vector_load %arg8[%swap3A_116, %swap3A_117] {strides = array<i32>} : memref<512x64xf32, #tpu.memory_space<vmem>>, vector<1x16xf32>,
        %swap3A_119 = vector.shape_cast %swap3A_118 : vector<1x16xf32> to vector<16xf32>
        %swap3A_120 = vector.shape_cast %mul3A_115 : vector<16xf32> to vector<1x16xf32>
        tpu.vector_store %arg8[%swap3A_116, %swap3A_117], %swap3A_120 {strides = array<i32>} : memref<512x64xf32, #tpu.memory_space<vmem>>, vector<1x16xf32>,
        %get3A_121 = arith.index_cast %scan3A_85 : i32 to index
        %get3A_122 = arith.constant 48 : index
        %get3A_123 = tpu.vector_load %arg8[%get3A_121, %get3A_122] {strides = array<i32>} : memref<512x64xf32, #tpu.memory_space<vmem>>, vector<1x16xf32>,
        %get3A_124 = vector.shape_cast %get3A_123 : vector<1x16xf32> to vector<16xf32>
        %mul3A_125 = arith.constant 8.000000e+00 : f32
        %mul3A_126 = vector.broadcast %mul3A_125 : f32 to vector<16xf32>
        %mul3A_127 = arith.mulf %get3A_124, %mul3A_126 : vector<16xf32>
        %swap3A_128 = arith.index_cast %scan3A_85 : i32 to index
        %swap3A_129 = arith.constant 48 : index
        %swap3A_130 = tpu.vector_load %arg8[%swap3A_128, %swap3A_129] {strides = array<i32>} : memref<512x64xf32, #tpu.memory_space<vmem>>, vector<1x16xf32>,
        %swap3A_131 = vector.shape_cast %swap3A_130 : vector<1x16xf32> to vector<16xf32>
        %swap3A_132 = vector.shape_cast %mul3A_127 : vector<16xf32> to vector<1x16xf32>
        tpu.vector_store %arg8[%swap3A_128, %swap3A_129], %swap3A_132 {strides = array<i32>} : memref<512x64xf32, #tpu.memory_space<vmem>>, vector<1x16xf32>,
        %scan3A_133 = arith.constant 0 : i32
        %scan3A_134 = arith.constant 1 : i32
        %scan3A_135 = arith.addi %scan3A_85, %scan3A_134 : i32
        %get3A_136 = arith.index_cast %scan3A_135 : i32 to index
        %get3A_137 = arith.constant 0 : index
        %get3A_138 = tpu.vector_load %arg8[%get3A_136, %get3A_137] {strides = array<i32>} : memref<512x64xf32, #tpu.memory_space<vmem>>, vector<1x16xf32>,
        %get3A_139 = vector.shape_cast %get3A_138 : vector<1x16xf32> to vector<16xf32>
        %mul3A_140 = arith.constant 8.000000e+00 : f32
        %mul3A_141 = vector.broadcast %mul3A_140 : f32 to vector<16xf32>
        %mul3A_142 = arith.mulf %get3A_139, %mul3A_141 : vector<16xf32>
        %swap3A_143 = arith.index_cast %scan3A_135 : i32 to index
        %swap3A_144 = arith.constant 0 : index
        %swap3A_145 = tpu.vector_load %arg8[%swap3A_143, %swap3A_144] {strides = array<i32>} : memref<512x64xf32, #tpu.memory_space<vmem>>, vector<1x16xf32>,
        %swap3A_146 = vector.shape_cast %swap3A_145 : vector<1x16xf32> to vector<16xf32>
        %swap3A_147 = vector.shape_cast %mul3A_142 : vector<16xf32> to vector<1x16xf32>
        tpu.vector_store %arg8[%swap3A_143, %swap3A_144], %swap3A_147 {strides = array<i32>} : memref<512x64xf32, #tpu.memory_space<vmem>>, vector<1x16xf32>,
        %get3A_148 = arith.index_cast %scan3A_135 : i32 to index
        %get3A_149 = arith.constant 16 : index
        %get3A_150 = tpu.vector_load %arg8[%get3A_148, %get3A_149] {strides = array<i32>} : memref<512x64xf32, #tpu.memory_space<vmem>>, vector<1x16xf32>,
        %get3A_151 = vector.shape_cast %get3A_150 : vector<1x16xf32> to vector<16xf32>
        %mul3A_152 = arith.constant 8.000000e+00 : f32
        %mul3A_153 = vector.broadcast %mul3A_152 : f32 to vector<16xf32>
        %mul3A_154 = arith.mulf %get3A_151, %mul3A_153 : vector<16xf32>
        %swap3A_155 = arith.index_cast %scan3A_135 : i32 to index
        %swap3A_156 = arith.constant 16 : index
        %swap3A_157 = tpu.vector_load %arg8[%swap3A_155, %swap3A_156] {strides = array<i32>} : memref<512x64xf32, #tpu.memory_space<vmem>>, vector<1x16xf32>,
        %swap3A_158 = vector.shape_cast %swap3A_157 : vector<1x16xf32> to vector<16xf32>
        %swap3A_159 = vector.shape_cast %mul3A_154 : vector<16xf32> to vector<1x16xf32>
        tpu.vector_store %arg8[%swap3A_155, %swap3A_156], %swap3A_159 {strides = array<i32>} : memref<512x64xf32, #tpu.memory_space<vmem>>, vector<1x16xf32>,
        %get3A_160 = arith.index_cast %scan3A_135 : i32 to index
        %get3A_161 = arith.constant 32 : index
        %get3A_162 = tpu.vector_load %arg8[%get3A_160, %get3A_161] {strides = array<i32>} : memref<512x64xf32, #tpu.memory_space<vmem>>, vector<1x16xf32>,
        %get3A_163 = vector.shape_cast %get3A_162 : vector<1x16xf32> to vector<16xf32>
        %mul3A_164 = arith.constant 8.000000e+00 : f32
        %mul3A_165 = vector.broadcast %mul3A_164 : f32 to vector<16xf32>
        %mul3A_166 = arith.mulf %get3A_163, %mul3A_165 : vector<16xf32>
        %swap3A_167 = arith.index_cast %scan3A_135 : i32 to index
        %swap3A_168 = arith.constant 32 : index
        %swap3A_169 = tpu.vector_load %arg8[%swap3A_167, %swap3A_168] {strides = array<i32>} : memref<512x64xf32, #tpu.memory_space<vmem>>, vector<1x16xf32>,
        %swap3A_170 = vector.shape_cast %swap3A_169 : vector<1x16xf32> to vector<16xf32>
        %swap3A_171 = vector.shape_cast %mul3A_166 : vector<16xf32> to vector<1x16xf32>
        tpu.vector_store %arg8[%swap3A_167, %swap3A_168], %swap3A_171 {strides = array<i32>} : memref<512x64xf32, #tpu.memory_space<vmem>>, vector<1x16xf32>,
        %get3A_172 = arith.index_cast %scan3A_135 : i32 to index
        %get3A_173 = arith.constant 48 : index
        %get3A_174 = tpu.vector_load %arg8[%get3A_172, %get3A_173] {strides = array<i32>} : memref<512x64xf32, #tpu.memory_space<vmem>>, vector<1x16xf32>,
        %get3A_175 = vector.shape_cast %get3A_174 : vector<1x16xf32> to vector<16xf32>
        %mul3A_176 = arith.constant 8.000000e+00 : f32
        %mul3A_177 = vector.broadcast %mul3A_176 : f32 to vector<16xf32>
        %mul3A_178 = arith.mulf %get3A_175, %mul3A_177 : vector<16xf32>
        %swap3A_179 = arith.index_cast %scan3A_135 : i32 to index
        %swap3A_180 = arith.constant 48 : index
        %swap3A_181 = tpu.vector_load %arg8[%swap3A_179, %swap3A_180] {strides = array<i32>} : memref<512x64xf32, #tpu.memory_space<vmem>>, vector<1x16xf32>,
        %swap3A_182 = vector.shape_cast %swap3A_181 : vector<1x16xf32> to vector<16xf32>
        %swap3A_183 = vector.shape_cast %mul3A_178 : vector<16xf32> to vector<1x16xf32>
        tpu.vector_store %arg8[%swap3A_179, %swap3A_180], %swap3A_183 {strides = array<i32>} : memref<512x64xf32, #tpu.memory_space<vmem>>, vector<1x16xf32>,
        %scan3A_184 = arith.constant 0 : i32
        %scan3A_185 = arith.constant 2 : i32
        %scan3A_186 = arith.addi %scan3A_85, %scan3A_185 : i32
        %get3A_187 = arith.index_cast %scan3A_186 : i32 to index
        %get3A_188 = arith.constant 0 : index
        %get3A_189 = tpu.vector_load %arg8[%get3A_187, %get3A_188] {strides = array<i32>} : memref<512x64xf32, #tpu.memory_space<vmem>>, vector<1x16xf32>,
        %get3A_190 = vector.shape_cast %get3A_189 : vector<1x16xf32> to vector<16xf32>
        %mul3A_191 = arith.constant 8.000000e+00 : f32
        %mul3A_192 = vector.broadcast %mul3A_191 : f32 to vector<16xf32>
        %mul3A_193 = arith.mulf %get3A_190, %mul3A_192 : vector<16xf32>
        %swap3A_194 = arith.index_cast %scan3A_186 : i32 to index
        %swap3A_195 = arith.constant 0 : index
        %swap3A_196 = tpu.vector_load %arg8[%swap3A_194, %swap3A_195] {strides = array<i32>} : memref<512x64xf32, #tpu.memory_space<vmem>>, vector<1x16xf32>,
        %swap3A_197 = vector.shape_cast %swap3A_196 : vector<1x16xf32> to vector<16xf32>
        %swap3A_198 = vector.shape_cast %mul3A_193 : vector<16xf32> to vector<1x16xf32>
        tpu.vector_store %arg8[%swap3A_194, %swap3A_195], %swap3A_198 {strides = array<i32>} : memref<512x64xf32, #tpu.memory_space<vmem>>, vector<1x16xf32>,
        %get3A_199 = arith.index_cast %scan3A_186 : i32 to index
        %get3A_200 = arith.constant 16 : index
        %get3A_201 = tpu.vector_load %arg8[%get3A_199, %get3A_200] {strides = array<i32>} : memref<512x64xf32, #tpu.memory_space<vmem>>, vector<1x16xf32>,
        %get3A_202 = vector.shape_cast %get3A_201 : vector<1x16xf32> to vector<16xf32>
        %mul3A_203 = arith.constant 8.000000e+00 : f32
        %mul3A_204 = vector.broadcast %mul3A_203 : f32 to vector<16xf32>
        %mul3A_205 = arith.mulf %get3A_202, %mul3A_204 : vector<16xf32>
        %swap3A_206 = arith.index_cast %scan3A_186 : i32 to index
        %swap3A_207 = arith.constant 16 : index
        %swap3A_208 = tpu.vector_load %arg8[%swap3A_206, %swap3A_207] {strides = array<i32>} : memref<512x64xf32, #tpu.memory_space<vmem>>, vector<1x16xf32>,
        %swap3A_209 = vector.shape_cast %swap3A_208 : vector<1x16xf32> to vector<16xf32>
        %swap3A_210 = vector.shape_cast %mul3A_205 : vector<16xf32> to vector<1x16xf32>
        tpu.vector_store %arg8[%swap3A_206, %swap3A_207], %swap3A_210 {strides = array<i32>} : memref<512x64xf32, #tpu.memory_space<vmem>>, vector<1x16xf32>,
        %get3A_211 = arith.index_cast %scan3A_186 : i32 to index
        %get3A_212 = arith.constant 32 : index
        %get3A_213 = tpu.vector_load %arg8[%get3A_211, %get3A_212] {strides = array<i32>} : memref<512x64xf32, #tpu.memory_space<vmem>>, vector<1x16xf32>,
        %get3A_214 = vector.shape_cast %get3A_213 : vector<1x16xf32> to vector<16xf32>
        %mul3A_215 = arith.constant 8.000000e+00 : f32
        %mul3A_216 = vector.broadcast %mul3A_215 : f32 to vector<16xf32>
        %mul3A_217 = arith.mulf %get3A_214, %mul3A_216 : vector<16xf32>
        %swap3A_218 = arith.index_cast %scan3A_186 : i32 to index
        %swap3A_219 = arith.constant 32 : index
        %swap3A_220 = tpu.vector_load %arg8[%swap3A_218, %swap3A_219] {strides = array<i32>} : memref<512x64xf32, #tpu.memory_space<vmem>>, vector<1x16xf32>,
        %swap3A_221 = vector.shape_cast %swap3A_220 : vector<1x16xf32> to vector<16xf32>
        %swap3A_222 = vector.shape_cast %mul3A_217 : vector<16xf32> to vector<1x16xf32>
        tpu.vector_store %arg8[%swap3A_218, %swap3A_219], %swap3A_222 {strides = array<i32>} : memref<512x64xf32, #tpu.memory_space<vmem>>, vector<1x16xf32>,
        %get3A_223 = arith.index_cast %scan3A_186 : i32 to index
        %get3A_224 = arith.constant 48 : index
        %get3A_225 = tpu.vector_load %arg8[%get3A_223, %get3A_224] {strides = array<i32>} : memref<512x64xf32, #tpu.memory_space<vmem>>, vector<1x16xf32>,
        %get3A_226 = vector.shape_cast %get3A_225 : vector<1x16xf32> to vector<16xf32>
        %mul3A_227 = arith.constant 8.000000e+00 : f32
        %mul3A_228 = vector.broadcast %mul3A_227 : f32 to vector<16xf32>
        %mul3A_229 = arith.mulf %get3A_226, %mul3A_228 : vector<16xf32>
        %swap3A_230 = arith.index_cast %scan3A_186 : i32 to index
        %swap3A_231 = arith.constant 48 : index
        %swap3A_232 = tpu.vector_load %arg8[%swap3A_230, %swap3A_231] {strides = array<i32>} : memref<512x64xf32, #tpu.memory_space<vmem>>, vector<1x16xf32>,
        %swap3A_233 = vector.shape_cast %swap3A_232 : vector<1x16xf32> to vector<16xf32>
        %swap3A_234 = vector.shape_cast %mul3A_229 : vector<16xf32> to vector<1x16xf32>
        tpu.vector_store %arg8[%swap3A_230, %swap3A_231], %swap3A_234 {strides = array<i32>} : memref<512x64xf32, #tpu.memory_space<vmem>>, vector<1x16xf32>,
        %scan3A_235 = arith.constant 0 : i32
        %scan3A_236 = arith.constant 3 : i32
        %scan3A_237 = arith.addi %scan3A_85, %scan3A_236 : i32
        %get3A_238 = arith.index_cast %scan3A_237 : i32 to index
        %get3A_239 = arith.constant 0 : index
        %get3A_240 = tpu.vector_load %arg8[%get3A_238, %get3A_239] {strides = array<i32>} : memref<512x64xf32, #tpu.memory_space<vmem>>, vector<1x16xf32>,
        %get3A_241 = vector.shape_cast %get3A_240 : vector<1x16xf32> to vector<16xf32>
        %mul3A_242 = arith.constant 8.000000e+00 : f32
        %mul3A_243 = vector.broadcast %mul3A_242 : f32 to vector<16xf32>
        %mul3A_244 = arith.mulf %get3A_241, %mul3A_243 : vector<16xf32>
        %swap3A_245 = arith.index_cast %scan3A_237 : i32 to index
        %swap3A_246 = arith.constant 0 : index
        %swap3A_247 = tpu.vector_load %arg8[%swap3A_245, %swap3A_246] {strides = array<i32>} : memref<512x64xf32, #tpu.memory_space<vmem>>, vector<1x16xf32>,
        %swap3A_248 = vector.shape_cast %swap3A_247 : vector<1x16xf32> to vector<16xf32>
        %swap3A_249 = vector.shape_cast %mul3A_244 : vector<16xf32> to vector<1x16xf32>
        tpu.vector_store %arg8[%swap3A_245, %swap3A_246], %swap3A_249 {strides = array<i32>} : memref<512x64xf32, #tpu.memory_space<vmem>>, vector<1x16xf32>,
        %get3A_250 = arith.index_cast %scan3A_237 : i32 to index
        %get3A_251 = arith.constant 16 : index
        %get3A_252 = tpu.vector_load %arg8[%get3A_250, %get3A_251] {strides = array<i32>} : memref<512x64xf32, #tpu.memory_space<vmem>>, vector<1x16xf32>,
        %get3A_253 = vector.shape_cast %get3A_252 : vector<1x16xf32> to vector<16xf32>
        %mul3A_254 = arith.constant 8.000000e+00 : f32
        %mul3A_255 = vector.broadcast %mul3A_254 : f32 to vector<16xf32>
        %mul3A_256 = arith.mulf %get3A_253, %mul3A_255 : vector<16xf32>
        %swap3A_257 = arith.index_cast %scan3A_237 : i32 to index
        %swap3A_258 = arith.constant 16 : index
        %swap3A_259 = tpu.vector_load %arg8[%swap3A_257, %swap3A_258] {strides = array<i32>} : memref<512x64xf32, #tpu.memory_space<vmem>>, vector<1x16xf32>,
        %swap3A_260 = vector.shape_cast %swap3A_259 : vector<1x16xf32> to vector<16xf32>
        %swap3A_261 = vector.shape_cast %mul3A_256 : vector<16xf32> to vector<1x16xf32>
        tpu.vector_store %arg8[%swap3A_257, %swap3A_258], %swap3A_261 {strides = array<i32>} : memref<512x64xf32, #tpu.memory_space<vmem>>, vector<1x16xf32>,
        %get3A_262 = arith.index_cast %scan3A_237 : i32 to index
        %get3A_263 = arith.constant 32 : index
        %get3A_264 = tpu.vector_load %arg8[%get3A_262, %get3A_263] {strides = array<i32>} : memref<512x64xf32, #tpu.memory_space<vmem>>, vector<1x16xf32>,
        %get3A_265 = vector.shape_cast %get3A_264 : vector<1x16xf32> to vector<16xf32>
        %mul3A_266 = arith.constant 8.000000e+00 : f32
        %mul3A_267 = vector.broadcast %mul3A_266 : f32 to vector<16xf32>
        %mul3A_268 = arith.mulf %get3A_265, %mul3A_267 : vector<16xf32>
        %swap3A_269 = arith.index_cast %scan3A_237 : i32 to index
        %swap3A_270 = arith.constant 32 : index
        %swap3A_271 = tpu.vector_load %arg8[%swap3A_269, %swap3A_270] {strides = array<i32>} : memref<512x64xf32, #tpu.memory_space<vmem>>, vector<1x16xf32>,
        %swap3A_272 = vector.shape_cast %swap3A_271 : vector<1x16xf32> to vector<16xf32>
        %swap3A_273 = vector.shape_cast %mul3A_268 : vector<16xf32> to vector<1x16xf32>
        tpu.vector_store %arg8[%swap3A_269, %swap3A_270], %swap3A_273 {strides = array<i32>} : memref<512x64xf32, #tpu.memory_space<vmem>>, vector<1x16xf32>,
        %get3A_274 = arith.index_cast %scan3A_237 : i32 to index
        %get3A_275 = arith.constant 48 : index
        %get3A_276 = tpu.vector_load %arg8[%get3A_274, %get3A_275] {strides = array<i32>} : memref<512x64xf32, #tpu.memory_space<vmem>>, vector<1x16xf32>,
        %get3A_277 = vector.shape_cast %get3A_276 : vector<1x16xf32> to vector<16xf32>
        %mul3A_278 = arith.constant 8.000000e+00 : f32
        %mul3A_279 = vector.broadcast %mul3A_278 : f32 to vector<16xf32>
        %mul3A_280 = arith.mulf %get3A_277, %mul3A_279 : vector<16xf32>
        %swap3A_281 = arith.index_cast %scan3A_237 : i32 to index
        %swap3A_282 = arith.constant 48 : index
        %swap3A_283 = tpu.vector_load %arg8[%swap3A_281, %swap3A_282] {strides = array<i32>} : memref<512x64xf32, #tpu.memory_space<vmem>>, vector<1x16xf32>,
        %swap3A_284 = vector.shape_cast %swap3A_283 : vector<1x16xf32> to vector<16xf32>
        %swap3A_285 = vector.shape_cast %mul3A_280 : vector<16xf32> to vector<1x16xf32>
        tpu.vector_store %arg8[%swap3A_281, %swap3A_282], %swap3A_285 {strides = array<i32>} : memref<512x64xf32, #tpu.memory_space<vmem>>, vector<1x16xf32>,
        %scan3A_286 = arith.constant 0 : i32
        scf.yield %scan3A_286 : i32
      }
      %scan3A_69 = arith.constant 512 : i32
      %mul3A_70 = arith.constant 512 : i32
      %mul3A_71 = arith.muli %add3A_59, %mul3A_70 : i32
      %add3A_72 = arith.addi %mul3A_2, %mul3A_71 : i32
      %dma_start3A_73 = arith.constant 0 : i32
      %dma_start3A_74 = tpu.memref_slice %arg4[%add3A_72, %dma_start3A_73] : memref<819200x64xf32, #tpu.memory_space<hbm>> -> memref<512x64xf32, #tpu.memory_space<hbm>>
      %dma_start3A_75 = arith.constant 0 : i32
      %dma_start3A_76 = tpu.memref_slice %arg4[%add3A_72, %dma_start3A_75] : memref<819200x64xf32, #tpu.memory_space<hbm>> -> memref<512x64xf32, #tpu.memory_space<hbm>>
      tpu.enqueue_dma source(%arg8 : memref<512x64xf32, #tpu.memory_space<vmem>>) target(%dma_start3A_76 : memref<512x64xf32, #tpu.memory_space<hbm>>) target_semaphore(%arg12 : memref<!tpu.dma_semaphore, #tpu.memory_space<semaphore_mem>>)
      %add3A_77 = arith.constant 2 : i32
      %add3A_78 = arith.addi %add3A_59, %add3A_77 : i32
      %lt3A_79 = arith.constant 50 : i32
      %lt3A_80 = arith.cmpi slt, %add3A_78, %lt3A_79 : i32
      %convert_element_type3A_81 = arith.extui %lt3A_80 : i1 to i32
      %cond3A_82 = arith.constant 0 : i32
      %cond3A_83 = arith.cmpi ne, %convert_element_type3A_81, %cond3A_82 : i32
      scf.if %cond3A_83 {
        %add3A_85 = arith.constant 2 : i32
        %add3A_86 = arith.addi %add3A_59, %add3A_85 : i32
        %mul3A_87 = arith.constant 512 : i32
        %mul3A_88 = arith.muli %add3A_86, %mul3A_87 : i32
        %add3A_89 = arith.addi %mul3A_2, %mul3A_88 : i32
        "tpu.region"() ({
          %run_scoped3A = tpu.sem_alloc : memref<!tpu.dma_semaphore, #tpu.memory_space<semaphore_mem>>
          %dma_start3A_97 = tpu.memref_slice %arg2[%add3A_89] : memref<819200xi32, #tpu.memory_space<hbm>> -> memref<512xi32, #tpu.memory_space<hbm>>
          %dma_start3A_98 = tpu.memref_slice %arg2[%add3A_89] : memref<819200xi32, #tpu.memory_space<hbm>> -> memref<512xi32, #tpu.memory_space<hbm>>
          tpu.enqueue_dma source(%dma_start3A_98 : memref<512xi32, #tpu.memory_space<hbm>>) target(%arg6 : memref<512xi32, #tpu.memory_space<vmem>>) target_semaphore(%run_scoped3A : memref<!tpu.dma_semaphore, #tpu.memory_space<semaphore_mem>>)
          %dma_wait3A_99 = tpu.memref_slice %arg2[%add3A_89] : memref<819200xi32, #tpu.memory_space<hbm>> -> memref<512xi32, #tpu.memory_space<hbm>>
          %dma_wait3A_100 = tpu.memref_slice %arg2[%add3A_89] : memref<819200xi32, #tpu.memory_space<hbm>> -> memref<512xi32, #tpu.memory_space<hbm>>
          tpu.wait_dma2 semaphore(%run_scoped3A : memref<!tpu.dma_semaphore, #tpu.memory_space<semaphore_mem>>) src(%dma_wait3A_100 : memref<512xi32, #tpu.memory_space<hbm>>) dst(%arg6 : memref<512xi32, #tpu.memory_space<vmem>>)
          tpu.yield
        }) : () -> ()
        %dma_wait3A_90 = arith.constant 0 : i32
        %dma_wait3A_91 = tpu.memref_slice %arg4[%add3A_72, %dma_wait3A_90] : memref<819200x64xf32, #tpu.memory_space<hbm>> -> memref<512x64xf32, #tpu.memory_space<hbm>>
        %dma_wait3A_92 = arith.constant 0 : i32
        %dma_wait3A_93 = tpu.memref_slice %arg4[%add3A_72, %dma_wait3A_92] : memref<819200x64xf32, #tpu.memory_space<hbm>> -> memref<512x64xf32, #tpu.memory_space<hbm>>
        tpu.wait_dma2 semaphore(%arg12 : memref<!tpu.dma_semaphore, #tpu.memory_space<semaphore_mem>>) src(%arg8 : memref<512x64xf32, #tpu.memory_space<vmem>>) dst(%dma_wait3A_93 : memref<512x64xf32, #tpu.memory_space<hbm>>)
        %dma_start3A_94 = arith.constant 0 : i32
        %dma_start3A_95 = arith.constant 0 : i32
        %dma_start3A_96 = tpu.memref_slice %arg3[%dma_start3A_94, %dma_start3A_95] : memref<1000000x64xf32, #tpu.memory_space<hbm>> -> memref<1000000x64xf32, #tpu.memory_space<hbm>>
        tpu.enqueue_indirect_dma source(%dma_start3A_96 : memref<1000000x64xf32, #tpu.memory_space<hbm>>) target(%arg8 : memref<512x64xf32, #tpu.memory_space<vmem>>) offsets(%arg6 : memref<512xi32, #tpu.memory_space<vmem>>) semaphore(%arg10 : memref<!tpu.dma_semaphore, #tpu.memory_space<semaphore_mem>>)
      } else {
      }
      %scan3A_84 = arith.constant 0 : i32
      scf.yield %scan3A_84 : i32
    }
    %scan3A_17 = arith.constant 25 : i32
    %add3A_18 = arith.constant 24576 : i32
    %add3A_19 = arith.addi %mul3A_2, %add3A_18 : i32
    %dma_wait3A = arith.constant 0 : i32
    %dma_wait3A_20 = tpu.memref_slice %arg4[%add3A_19, %dma_wait3A] : memref<819200x64xf32, #tpu.memory_space<hbm>> -> memref<512x64xf32, #tpu.memory_space<hbm>>
    %dma_wait3A_21 = arith.constant 0 : i32
    %dma_wait3A_22 = tpu.memref_slice %arg4[%add3A_19, %dma_wait3A_21] : memref<819200x64xf32, #tpu.memory_space<hbm>> -> memref<512x64xf32, #tpu.memory_space<hbm>>
    tpu.wait_dma2 semaphore(%arg11 : memref<!tpu.dma_semaphore, #tpu.memory_space<semaphore_mem>>) src(%arg7 : memref<512x64xf32, #tpu.memory_space<vmem>>) dst(%dma_wait3A_22 : memref<512x64xf32, #tpu.memory_space<hbm>>)
    %add3A_23 = arith.constant 25088 : i32
    %add3A_24 = arith.addi %mul3A_2, %add3A_23 : i32
    %dma_wait3A_25 = arith.constant 0 : i32
    %dma_wait3A_26 = tpu.memref_slice %arg4[%add3A_24, %dma_wait3A_25] : memref<819200x64xf32, #tpu.memory_space<hbm>> -> memref<512x64xf32, #tpu.memory_space<hbm>>
    %dma_wait3A_27 = arith.constant 0 : i32
    %dma_wait3A_28 = tpu.memref_slice %arg4[%add3A_24, %dma_wait3A_27] : memref<819200x64xf32, #tpu.memory_space<hbm>> -> memref<512x64xf32, #tpu.memory_space<hbm>>
    tpu.wait_dma2 semaphore(%arg12 : memref<!tpu.dma_semaphore, #tpu.memory_space<semaphore_mem>>) src(%arg8 : memref<512x64xf32, #tpu.memory_space<vmem>>) dst(%dma_wait3A_28 : memref<512x64xf32, #tpu.memory_space<hbm>>)
    return
  }
}

</mosaic_0001>

<sc_bundles>
// kernel: kernel.3.cloned.1.call-start
scs
__scs_entry_jumppad:
0x0: {  	(pc) =	sbr.rel $0x88, $3  }
0x1: {  	(tag) =	ssettag $0x0;
	lr =	simm.s32 $0x1  }
0x2: {  	[smem:$0x3F9F] =	sst lr;
	_ =	strace $0xD0000000  }
0x3: {  	_ = 	snop  }
0x4: {  	_ = 	snop  }
0x5: {  	_ = 	snop  }
0x6: {  	_ = 	snop  }
0x7: {  	_ = 	snop  }
__scs_overlays_trampoline_lowered:
0x8: {  	[smem:$0x3FAE] =	sst s0  }
0x9: {  	[smem:$0x3FAF] =	sst s1  }
0xa: {  	[smem:$0x3FB0] =	sst s2  }
0xb: {  	[smem:$0x3FB1] =	sst s3  }
0xc: {  	[smem:$0x3FB2] =	sst s4  }
0xd: {  	[smem:$0x3FB3] =	sst s5  }
0xe: {  	[smem:$0x3FB4] =	sst s6  }
0xf: {  	[smem:$0x3FB5] =	sst s7  }
0x10: {  	[smem:$0x3FB6] =	sst s8  }
0x11: {  	[smem:$0x3FB7] =	sst s9;
	s0 =	simm.s32 @!p0 $0x0  }
0x12: {  	s1 =	sld [smem:$0x3F9D];
	s0 =	simm.s32 @p0 $0x1  }
0x13: {  	[smem:$0x3FB8] =	sst s0;
	s0 =	simm.s32 @!p1 $0x0  }
0x14: {  	s2 =	sld [smem:$0x3F9C];
	s0 =	simm.s32 @p1 $0x1  }
0x15: {  	[smem:$0x3FB9] =	sst s0;
	s0 =	simm.s32 @!p2 $0x0  }
0x16: {  	s3 =	sld [smem:$0x3FDB];
	s0 =	simm.s32 @p2 $0x1  }
0x17: {  	s4 =	simm.s32 $0x1BF5;
	[smem:$0x3FBB] =	sst s0  }
0x18: {  	s0 =	sld [smem:$0x3F9E];
	_ =	swait.ge [sflag:s4], $0x0  }
0x19: {  	s7 =	sld [smem:$0x3F9F]  }
0x1a: {  	s8 =	sadd.s32 $0xFFFFE003, lr  }
0x1b: {  	s9 =	sadd.s32 $0xFFFFFEF7, lr;
	s5 =	simm.s32 $0xFFFFFFFF;
	p2 =	slt.u32 s8, $0xFFFFF086  }
0x1c: {  	p1 =	slt.u32 s9, $0xF7A;
	s5 =	simm.s32 @!p2 $0x0  }
0x1d: {  	s5 =	simm.s32 @p1 $0x1;
	p0 =	seq.s32 s7, s2  }
0x1e: {  	s7 =	smul.u32 @!p0 $0xF7A, s2;
	p2 =	seq.s32 @!p0 s5, $0x0  }
0x1f: {  	s9 =	smul.u32 $0xF7A, s1;
	s8 =	simm.s32 @!p0 $0x1BF5;
	p2 =	por !p2, p0  }
0x20: {  	[sflag:s8] =	ssyncset.s32 @!p0 $0xFFFFF086;
	s6 =	sadd.s32 @!p0 s3, s7;
	s7 =	simm.s32 @!p0 $0x108  }
0x21: {  	s3 =	sadd.s32 s3, s9;
	s6 =	sadd.s32 @!p0 $0x88, s6;
	s7 =	simm.s32 @p2 $0x1082  }
0x22: {  	[simem:s7], [sflag:s8] =	dma.local @!p0 [hbm:s6], $0xF7A  }
0x23: {  	s9 =	sor.u32 $0xD0000000, s2;
	s6 =	simm.s32 $0x108;
	_ =	swait.ge @!p0 [sflag:s8], $0x0  }
0x24: {  	s3 =	sadd.s32 $0x88, s3;
	s6 =	simm.s32 @!p1 $0x1082;
	[sflag:s4] =	ssyncset.s32 $0xFFFFF086  }
0x25: {  	[simem:s6], [sflag:s4] =	dma.local [hbm:s3], $0xF7A  }
0x26: {  	[smem:$0x3F9F] =	sst s1;
	(tag) =	ssettag s2;
	_ =	strace s9  }
0x27: {  	s1 =	sld [smem:$0x3FAF]  }
0x28: {  	s2 =	sld [smem:$0x3FB0]  }
0x29: {  	s4 =	sld [smem:$0x3FB2]  }
0x2a: {  	p0 =	seq.s32 s5, $0x0;
	s5 =	sld [smem:$0x3FB3]  }
0x2b: {  	s6 =	sld [smem:$0x3FB4]  }
0x2c: {  	s7 =	sld [smem:$0x3FB5]  }
0x2d: {  	s3 =	simm.s32 $0x108;
	s8 =	sld [smem:$0x3FB6]  }
0x2e: {  	s3 =	simm.s32 @!p0 $0x1082;
	s9 =	sld [smem:$0x3FB7]  }
0x2f: {  	lr =	sadd.s32 s0, s3;
	s0 =	sld [smem:$0x3FAE]  }
0x30: {  	s3 =	sld [smem:$0x3FB1]  }
0x31: {  	[smem:$0x3FBA] =	sst s10  }
0x32: {  	s10 =	sld [smem:$0x3FB8];
	_ =	sdelay $0x3  }
0x33: {  	p0 =	seq.s32 s10, $0x1;
	s10 =	sld [smem:$0x3FBA];
	_ =	sdelay $0x3  }
0x34: {  	[smem:$0x3FBA] =	sst s10  }
0x35: {  	s10 =	sld [smem:$0x3FB9];
	_ =	sdelay $0x3  }
0x36: {  	p1 =	seq.s32 s10, $0x1;
	s10 =	sld [smem:$0x3FBA];
	_ =	sdelay $0x3  }
0x37: {  	[smem:$0x3FBA] =	sst s10  }
0x38: {  	s10 =	sld [smem:$0x3FBB]  }
0x39: {  	_ = 	snop;
	(pc) =	sbr.ind lr, $3  }
0x3a: {  	_ = 	snop  }
0x3b: {  	_ = 	snop  }
0x3c: {  	p2 =	seq.s32 s10, $0x1;
	s10 =	sld [smem:$0x3FBA]  }
0x3d: {  	_ =	shalt  }
0x3e: {  	_ =	shalt  }
0x3f: {  	_ =	shalt  }
0x40: {  	_ =	shalt  }
0x41: {  	_ =	shalt  }
0x42: {  	_ =	shalt  }
0x43: {  	_ =	shalt  }
0x44: {  	_ =	shalt  }
0x45: {  	_ =	shalt  }
0x46: {  	_ =	shalt  }
0x47: {  	_ =	shalt  }
0x48: {  	_ =	shalt  }
0x49: {  	_ =	shalt  }
0x4a: {  	_ =	shalt  }
0x4b: {  	_ =	shalt  }
0x4c: {  	_ =	shalt  }
0x4d: {  	_ =	shalt  }
0x4e: {  	_ =	shalt  }
0x4f: {  	_ =	shalt  }
0x50: {  	_ =	shalt  }
0x51: {  	_ =	shalt  }
0x52: {  	_ =	shalt  }
0x53: {  	_ =	shalt  }
0x54: {  	_ =	shalt  }
0x55: {  	_ =	shalt  }
0x56: {  	_ =	shalt  }
0x57: {  	_ =	shalt  }
0x58: {  	_ =	shalt  }
0x59: {  	_ =	shalt  }
0x5a: {  	_ =	shalt  }
0x5b: {  	_ =	shalt  }
0x5c: {  	_ =	shalt  }
0x5d: {  	_ =	shalt  }
0x5e: {  	_ =	shalt  }
0x5f: {  	_ =	shalt  }
0x60: {  	_ =	shalt  }
0x61: {  	_ =	shalt  }
0x62: {  	_ =	shalt  }
0x63: {  	_ =	shalt  }
0x64: {  	_ =	shalt  }
0x65: {  	_ =	shalt  }
0x66: {  	_ =	shalt  }
0x67: {  	_ =	shalt  }
0x68: {  	_ =	shalt  }
0x69: {  	_ =	shalt  }
0x6a: {  	_ =	shalt  }
0x6b: {  	_ =	shalt  }
0x6c: {  	_ =	shalt  }
0x6d: {  	_ =	shalt  }
0x6e: {  	_ =	shalt  }
0x6f: {  	_ =	shalt  }
0x70: {  	_ =	shalt  }
0x71: {  	_ =	shalt  }
0x72: {  	_ =	shalt  }
0x73: {  	_ =	shalt  }
0x74: {  	_ =	shalt  }
0x75: {  	_ =	shalt  }
0x76: {  	_ =	shalt  }
0x77: {  	_ =	shalt  }
0x78: {  	_ =	shalt  }
0x79: {  	_ =	shalt  }
0x7a: {  	_ =	shalt  }
0x7b: {  	_ =	shalt  }
0x7c: {  	_ =	shalt  }
0x7d: {  	_ =	shalt  }
0x7e: {  	_ =	shalt  }
0x7f: {  	_ =	shalt  }
0x80: {  	_ =	shalt  }
0x81: {  	_ =	shalt  }
0x82: {  	_ =	shalt  }
0x83: {  	_ =	shalt  }
0x84: {  	_ =	shalt  }
0x85: {  	_ =	shalt  }
0x86: {  	_ =	shalt  }
0x87: {  	_ =	shalt  }
.Lfunc_end0:
.L_simem_size_0:
called_computation.1_lowered:
.L_overlay_start_0:
0x88: {  	s2 =	sld [smem:$0x3FD9]  }
0x89: {  	s3 =	sld [smem:$0x3FFE];
	_ =	sdelay $0x1  }
0x8a: {  	s1 =	srdreg.scid  }
0x8b: {  	s0 =	sand.u32 $0x1, s1  }
0x8c: {  	s17 =	sshll.u32 s0, $0xA;
	s2 =	sadd.s32 s3, s2  }
0x8d: {  	s2 =	sadd.s32 s2, s17  }
0x8e: {  	[smem:$0x3FC6] =	sst s2  }
0x8f: {  	_ = 	snop  }
0x90: {  	s2 =	sld [smem:$0x3FD0];
	(tm) =	ssettm $0x1  }
0x91: {  	s18 =	sld [smem:$0x3FFB];
	_ =	sdelay $0x3  }
0x92: {  	_ =	strace s18  }
0x93: {  	s3 =	sld [smem:$0x3FFC];
	_ =	sdelay $0x3  }
0x94: {  	_ =	strace s3  }
0x95: {  	s3 =	sld [smem:$0x3FFD];
	_ =	sdelay $0x3  }
0x96: {  	_ =	strace s3  }
0x97: {  	_ =	strace $0x8FFFFFFF  }
0x98: {  	s19 =	sld [smem:$0x3FDB];
	_ =	sdelay $0x1  }
0x99: {  	s4 =	simm.s32 $_scs_section_size  }
0x9a: {  	s5 =	simm.s32 $_size__tile_overlayer_lowered;
	s6 =	simm.s32 $_tile_overlayer_lowered  }
0x9b: {  	s22 =	simm.s32 $0x1BFF;
	s21 =	sshll.u32 s6, $0x1;
	s3 =	sadd.s32 s4, s19  }
0x9c: {  	s7 =	simm.s32 $0x0;
	s20 =	sshll.u32 s5, $0x1;
	s5 =	sadd.s32 s21, s3  }
0x9d: {  	[timem:s7], [sflag:s22] =	dma.local [hbm:s5], s20  }
0x9e: {  	_ =	swait.ge [sflag:s22], s20  }
0x9f: {  	s4 =	ssub.s32 $0x0, s20;
	[sflag:s22] =	ssyncset.done $0x0  }
0xa0: {  	[sflag:s22] =	ssyncadd.s32 s4;
	_ =	sdelay $0x1  }
0xa1: {  	s23 =	simm.s32 $0x1B8B  }
0xa2: {  	_ =	swait.ge [sflag:s23], $0x1  }
0xa3: {  	[sflag:s23] =	ssyncset.done $0x0  }
0xa4: {  	s25 =	simm.s32 $0x1B8E;
	s24 =	sld [smem:$0x3FFE];
	[sflag:s23] =	ssyncadd.s32 $0xFFFFFFFF  }
0xa5: {  	s26 =	simm.s32 $execute0_lowered;
	[smem:$0x3FD2] =	sst s25  }
0xa6: {  	s5 =	sshll.u32 s26, $0x1;
	_ =	strace $0x80000046;
	[dreg:$0x1] =	wrdreg $0xFFFFFFFF  }
0xa7: {  	s28 =	simm.s32 $_size_execute0_lowered;
	s3 =	sadd.s32 s3, s5;
	[dreg:$0x0] =	wrdreg $0x0  }
0xa8: {  	s5 =	sshll.u32 s28, $0x1;
	[dreg:$0x2] =	wrdreg s3  }
0xa9: {  	[dreg:$0x3] =	wrdreg s5  }
0xaa: {  	[dreg:$0x4] =	wrdreg $0xC0  }
0xab: {  	_ =	task [dreg:s7], $0x5FFFF  }
0xac: {  	[dreg:$0x1] =	wrdreg $0xFFFFFFFF  }
0xad: {  	[dreg:$0x0] =	wrdreg $0x60  }
0xae: {  	[dreg:$0x2] =	wrdreg s24  }
0xaf: {  	[dreg:$0x3] =	wrdreg s2  }
0xb0: {  	[dreg:$0x4] =	wrdreg $0x9  }
0xb1: {  	_ =	task.clear_ibuf [dreg:s7], $0x5FFFF;
	_ =	strace $0x90000046  }
0xb2: {  	s29 =	simm.s32 $0x9;
	_ =	strace $0x80000048  }
0xb3: {  	_ =	swait.ge [sflag:s29], $0x1  }
0xb4: {  	[sflag:s29] =	ssyncadd.s32 $0xFFFFFFFF  }
0xb5: {  	_ =	strace $0x90000048  }
0xb6: {  	_ =	sfence  }
0xb7: {  	s30 =	sld [smem:$0x0];
	_ =	sdelay $0x2  }
0xb8: {  	s31 =	sshll.u32 s1, $0xD;
	s1 =	sshrl.u32 s1, $0x2  }
0xb9: {  	s3 =	sand.u32 $0x4000, s31;
	s1 =	sadd.s32 s1, s30  }
0xba: {  	s0 =	sor.u32 s3, s0;
	s1 =	sshll.u32 s1, $0x11  }
0xbb: {  	s0 =	sor.u32 s1, s0  }
0xbc: {  	s0 =	sadd.s32 $0x8F2B, s0  }
0xbd: {  	[sflag:s0] =	ssyncadd.remote.s32 $0x1  }
0xbe: {  	_ =	sfence.sel $0xFFFF  }
0xbf: {  	[dreg:$0x0] =	wrdreg $0xFFFFFFFF;
	(pc) =	sbr.abs _section_cstart, $3  }
0xc0: {  	[dreg:$0x1] =	wrdreg $0xFFFFFFFF  }
0xc1: {  	_ =	task.clear_ibuf [dreg:s7], $0x2FFFF;
	_ =	strace $0x9FFFFFFF  }
0xc2: {  	(tm) =	ssettm $0x7FFFFFFF  }
0xc3: {  	_ =	shalt  }
tec
execute0_lowered:
.L_overlay_start_1:
0x0: {  	(tag) =	ssettag $0x1  }
0x1: {  	s5 =	rddreg [dreg:$0x0];
	s1 =	srdreg.scid  }
0x2: {  	s0 =	stileid.u32;
	s2 =	rddreg [dreg:$0x1];
	s3 =	simm.s32 $0x0  }
0x3: {  	s13 =	simm.s32 $0x5;
	s14 =	simm.s32 $0x200;
	s15 =	simm.s32 $0x400  }
0x4: {  	s16 =	simm.s32 $0x8400;
	s17 =	simm.s32 $0x1;
	s18 =	simm.s32 $0x2  }
0x5: {  	s19 =	simm.s32 $0x3;
	s4 =	sand.u32 $0x1, s1;
	s6 =	sshll.u32 s0, $0x1  }
0x6: {  	s20 =	simm.s32 $0x4;
	s1 =	rddreg [dreg:$0x2];
	s8 =	sor.u32 s4, s6  }
0x7: {  	s21 =	simm.s32 $0x0;
	[smem:$0x7FF] =	sst s3;
	s11 =	smul.u32 $0x6400, s8  }
.Ltmp0:
0x8: {  	_ =	strace $0x80000047;
	s31 =	ssub.s32 $0x2, s4;
	(pc) =	sbr.rel .LBB2_1-.Ltmp0, $4  }
0x9: {  	s4 =	sadd.s32 $0xA00, s5;
	s5 =	sadd.s32 $0xF42E00, s5;
	s7 =	sshrl.u32 s31, $0x1  }
0xa: {  	s8 =	smul.u32 $0x190000, s8;
	s12 =	ssub.s32 s31, s7;
	s9 =	sshrl.u32 s11, $0x3  }
0xb: {  	s10 =	sor.u32 $0x200, s11;
	s12 =	smax.u32 s12, $0x1;
	s6 =	sadd.s32 s4, s9  }
0xc: {  	s9 =	sadd.s32 $0x400, s11;
	s11 =	sadd.s32 $0x600, s11;
	s7 =	sadd.s32 $0x40, s6  }
.LBB2_8:
0xd: {  	s21 =	sadd.s32 $0x1, s21  }
0xe: {  	_ =	swait.ge [sflag:s19], $0x8000;
	p0 =	sne.s32 s21, s12  }
.Ltmp1:
0xf: {  	[sflag:s19] =	ssyncset.done $0x0;
	(pc) =	sbr.rel @!p0 .LBB2_9-.Ltmp1, $4  }
0x10: {  	[sflag:s19] =	ssyncadd.s32 $0xFFFF8000  }
0x11: {  	_ =	swait.ge [sflag:s20], $0x8000  }
0x12: {  	[sflag:s20] =	ssyncset.done $0x0  }
0x13: {  	[sflag:s20] =	ssyncadd.s32 $0xFFFF8000  }
.LBB2_1:
0x14: {  	[tilespmem:s3], [sflag:$0x5] =	stream.linear.gather [hbm4b:s6+s3], $0x200, $0x38;
	[tilespmem:$0x10400] =	vst v63  }
0x15: {  	_ =	swait.ge [sflag:s13], $0x200  }
0x16: {  	[sflag:s13] =	ssyncset.done $0x0  }
0x17: {  	[sflag:s13] =	ssyncadd.s32 $0xFFFFFE00  }
0x18: {  	[tilespmem:s15], [sflag:$0x1] =	stream.indirect.gather [hbm4b:s5+s14], $0x40, s3, s14, $0xb8;
	[tilespmem:$0x10400] =	vst v63  }
0x19: {  	_ = 	snop  }
0x1a: {  	[tilespmem:s14], [sflag:$0x5] =	stream.linear.gather [hbm4b:s7+s3], $0x200, $0x38;
	[tilespmem:$0x10400] =	vst v63  }
0x1b: {  	_ =	swait.ge [sflag:s13], $0x200  }
0x1c: {  	[sflag:s13] =	ssyncset.done $0x0  }
0x1d: {  	s22 =	simm.s32 $0x0;
	[sflag:s13] =	ssyncadd.s32 $0xFFFFFE00  }
0x1e: {  	[tilespmem:s16], [sflag:$0x2] =	stream.indirect.gather [hbm4b:s5+s14], $0x40, s14, s14, $0xb8;
	[tilespmem:$0x10400] =	vst v63  }
.LBB2_2:
0x1f: {  	_ =	swait.ge [sflag:s17], $0x8000  }
0x20: {  	[sflag:s17] =	ssyncset.done $0x0  }
0x21: {  	s23 =	simm.s32 $0x480;
	[sflag:s17] =	ssyncadd.s32 $0xFFFF8000  }
0x22: {  	v0 =	vld [tilespmem:s23+$0xFFFFFF80]  }
0x23: {  	v1 =	vld [tilespmem:s23+$0xFFFFFF90]  }
0x24: {  	v2 =	vld [tilespmem:s23+$0xFFFFFFA0]  }
0x25: {  	v3 =	vld [tilespmem:s23+$0xFFFFFFB0]  }
0x26: {  	v4 =	vld [tilespmem:s23+$0xFFFFFFC0]  }
0x27: {  	v5 =	vld [tilespmem:s23+$0xFFFFFFD0];
	v0 =	vmul.f32 $8.000000000e+00, v0  }
0x28: {  	v6 =	vld [tilespmem:s23+$0xFFFFFFE0];
	v1 =	vmul.f32 $8.000000000e+00, v1  }
0x29: {  	[tilespmem:s23+$0xFFFFFF80] =	vst v0;
	v0 =	vmul.f32 $8.000000000e+00, v2;
	v2 =	vld [tilespmem:s23+$0x0]  }
0x2a: {  	[tilespmem:s23+$0xFFFFFF90] =	vst v1;
	v1 =	vmul.f32 $8.000000000e+00, v3;
	v3 =	vld [tilespmem:s23+$0x10]  }
0x2b: {  	[tilespmem:s23+$0xFFFFFFA0] =	vst v0;
	v0 =	vmul.f32 $8.000000000e+00, v4;
	v4 =	vld [tilespmem:s23+$0x20]  }
0x2c: {  	v7 =	vld [tilespmem:s23+$0x30];
	[tilespmem:s23+$0xFFFFFFB0] =	vst v1;
	v1 =	vmul.f32 $8.000000000e+00, v5  }
0x2d: {  	v5 =	vmul.f32 $8.000000000e+00, v6;
	[tilespmem:s23+$0xFFFFFFC0] =	vst v0;
	v0 =	vld [tilespmem:s23+$0x40]  }
0x2e: {  	[tilespmem:s23+$0xFFFFFFD0] =	vst v1;
	v1 =	vmul.f32 $8.000000000e+00, v2;
	v2 =	vld [tilespmem:s23+$0x50]  }
0x2f: {  	[tilespmem:s23+$0xFFFFFFE0] =	vst v5;
	v6 =	vmul.f32 $8.000000000e+00, v3;
	v3 =	vld [tilespmem:s23+$0x60]  }
0x30: {  	[tilespmem:s23+$0x0] =	vst v1;
	v5 =	vmul.f32 $8.000000000e+00, v4;
	v4 =	vld [tilespmem:s23+$0x70]  }
0x31: {  	s24 =	simm.s32 $0x0;
	s25 =	simm.s32 $0x580;
	v1 =	vld [tilespmem:s23+$0xFFFFFFF0];
	[tilespmem:s23+$0x10] =	vst v6;
	v6 =	vmul.f32 $8.000000000e+00, v7  }
.LBB2_3:
0x32: {  	v7 =	vld [tilespmem:s25+$0xFFFFFF80];
	[tilespmem:s23+$0x20] =	vst v5;
	v0 =	vmul.f32 $8.000000000e+00, v0  }
0x33: {  	v5 =	vld [tilespmem:s25+$0xFFFFFF90];
	[tilespmem:s23+$0x30] =	vst v6;
	v2 =	vmul.f32 $8.000000000e+00, v2  }
0x34: {  	v6 =	vld [tilespmem:s25+$0xFFFFFFA0];
	[tilespmem:s23+$0x40] =	vst v0;
	v0 =	vmul.f32 $8.000000000e+00, v3  }
0x35: {  	v3 =	vld [tilespmem:s25+$0xFFFFFFB0];
	[tilespmem:s23+$0x50] =	vst v2;
	v2 =	vmul.f32 $8.000000000e+00, v4  }
0x36: {  	v4 =	vld [tilespmem:s25+$0xFFFFFFC0];
	v1 =	vmul.f32 $8.000000000e+00, v1;
	[tilespmem:s23+$0x60] =	vst v0  }
0x37: {  	v0 =	vmul.f32 $8.000000000e+00, v7;
	v7 =	vld [tilespmem:s25+$0xFFFFFFD0];
	[tilespmem:s23+$0x70] =	vst v2  }
0x38: {  	v2 =	vmul.f32 $8.000000000e+00, v5;
	v5 =	vld [tilespmem:s25+$0xFFFFFFE0];
	[tilespmem:s23+$0xFFFFFFF0] =	vst v1;
	s23 =	smov.u32 s25  }
0x39: {  	[tilespmem:s25+$0xFFFFFF80] =	vst v0;
	v0 =	vmul.f32 $8.000000000e+00, v6;
	v1 =	vld [tilespmem:s25+$0x0]  }
0x3a: {  	[tilespmem:s25+$0xFFFFFF90] =	vst v2;
	v2 =	vmul.f32 $8.000000000e+00, v3;
	v3 =	vld [tilespmem:s25+$0x10]  }
0x3b: {  	s24 =	sadd.s32 $0x4, s24;
	[tilespmem:s25+$0xFFFFFFA0] =	vst v0;
	v0 =	vmul.f32 $8.000000000e+00, v4;
	v4 =	vld [tilespmem:s25+$0x20]  }
0x3c: {  	p0 =	slt.u32 s24, $0x1FC;
	[tilespmem:s25+$0xFFFFFFB0] =	vst v2;
	v2 =	vmul.f32 $8.000000000e+00, v7;
	v6 =	vld [tilespmem:s25+$0x30]  }
.Ltmp2:
0x3d: {  	[tilespmem:s25+$0xFFFFFFC0] =	vst v0;
	v5 =	vmul.f32 $8.000000000e+00, v5;
	v0 =	vld [tilespmem:s25+$0x40];
	(pc) =	sbr.rel @p0 .LBB2_3-.Ltmp2, $4  }
0x3e: {  	[tilespmem:s25+$0xFFFFFFD0] =	vst v2;
	v1 =	vmul.f32 $8.000000000e+00, v1;
	v2 =	vld [tilespmem:s25+$0x50]  }
0x3f: {  	[tilespmem:s25+$0xFFFFFFE0] =	vst v5;
	v7 =	vmul.f32 $8.000000000e+00, v3;
	v3 =	vld [tilespmem:s25+$0x60]  }
0x40: {  	[tilespmem:s25+$0x0] =	vst v1;
	v5 =	vmul.f32 $8.000000000e+00, v4;
	v4 =	vld [tilespmem:s25+$0x70]  }
0x41: {  	s25 =	sadd.s32 $0x100, s25;
	v1 =	vld [tilespmem:s23+$0xFFFFFFF0];
	[tilespmem:s23+$0x10] =	vst v7;
	v6 =	vmul.f32 $8.000000000e+00, v6  }
0x42: {  	[tilespmem:s23+$0x20] =	vst v5;
	v0 =	vmul.f32 $8.000000000e+00, v0  }
0x43: {  	[tilespmem:s23+$0x30] =	vst v6;
	v2 =	vmul.f32 $8.000000000e+00, v2  }
0x44: {  	[tilespmem:s23+$0x40] =	vst v0;
	v0 =	vmul.f32 $8.000000000e+00, v3  }
0x45: {  	s24 =	sshll.u32 s22, $0x10;
	[tilespmem:s23+$0x50] =	vst v2;
	v2 =	vmul.f32 $8.000000000e+00, v4  }
0x46: {  	s24 =	sadd.s32 s8, s24;
	v1 =	vmul.f32 $8.000000000e+00, v1;
	[tilespmem:s23+$0x60] =	vst v0  }
0x47: {  	s24 =	sshrl.u32 s24, $0x3;
	[tilespmem:s23+$0x70] =	vst v2  }
0x48: {  	p0 =	seq.s32 s22, $0x18;
	s31 =	sadd.s32 s2, s24;
	[tilespmem:s23+$0xFFFFFFF0] =	vst v1;
	s23 =	sshll.u32 s22, $0xA  }
0x49: {  	[hbm4b:s31+s3] =	stream.linear.scatter [tilespmem:s15], [sflag:$0x3], $0x8000, $0x38;
	[tilespmem:$0x10400] =	vst v63  }
0x4a: {  	s24 =	sadd.s32 @!p0 s23, s9  }
0x4b: {  	s24 =	sshrl.u32 @!p0 s24, $0x3  }
0x4c: {  	s25 =	simm.s32 @!p0 $0x0;
	s24 =	sadd.s32 @!p0 s4, s24  }
0x4d: {  	[tilespmem:s25], [sflag:$0x5] =	stream.linear.gather @!p0 [hbm4b:s24+s25], $0x200, $0x38;
	[tilespmem:$0x10400] =	vst v63  }
0x4e: {  	s24 =	simm.s32 @!p0 $0x5  }
0x4f: {  	_ =	swait.ge @!p0 [sflag:s24], $0x200  }
0x50: {  	[sflag:s24] =	ssyncset.done @!p0 $0x0  }
0x51: {  	[sflag:s24] =	ssyncadd.s32 @!p0 $0xFFFFFE00;
	s24 =	simm.s32 @!p0 $0x3  }
0x52: {  	_ =	swait.ge @!p0 [sflag:s24], $0x8000  }
0x53: {  	[sflag:s24] =	ssyncset.done @!p0 $0x0  }
0x54: {  	s26 =	simm.s32 @!p0 $0x400;
	[sflag:s24] =	ssyncadd.s32 @!p0 $0xFFFF8000;
	s24 =	simm.s32 @!p0 $0x200  }
0x55: {  	[tilespmem:s26], [sflag:$0x1] =	stream.indirect.gather @!p0 [hbm4b:s5+s24], $0x40, s25, s24, $0xb8;
	[tilespmem:$0x10400] =	vst v63  }
0x56: {  	_ =	swait.ge [sflag:s18], $0x8000  }
0x57: {  	[sflag:s18] =	ssyncset.done $0x0  }
0x58: {  	s24 =	simm.s32 $0x8480;
	[sflag:s18] =	ssyncadd.s32 $0xFFFF8000  }
0x59: {  	v0 =	vld [tilespmem:s24+$0xFFFFFF80]  }
0x5a: {  	v1 =	vld [tilespmem:s24+$0xFFFFFF90]  }
0x5b: {  	v2 =	vld [tilespmem:s24+$0xFFFFFFA0]  }
0x5c: {  	v3 =	vld [tilespmem:s24+$0xFFFFFFB0]  }
0x5d: {  	v4 =	vld [tilespmem:s24+$0xFFFFFFC0]  }
0x5e: {  	v5 =	vld [tilespmem:s24+$0xFFFFFFD0];
	v0 =	vmul.f32 $8.000000000e+00, v0  }
0x5f: {  	v6 =	vld [tilespmem:s24+$0xFFFFFFE0];
	v1 =	vmul.f32 $8.000000000e+00, v1  }
0x60: {  	[tilespmem:s24+$0xFFFFFF80] =	vst v0;
	v0 =	vmul.f32 $8.000000000e+00, v2;
	v2 =	vld [tilespmem:s24+$0x0]  }
0x61: {  	[tilespmem:s24+$0xFFFFFF90] =	vst v1;
	v1 =	vmul.f32 $8.000000000e+00, v3;
	v3 =	vld [tilespmem:s24+$0x10]  }
0x62: {  	[tilespmem:s24+$0xFFFFFFA0] =	vst v0;
	v0 =	vmul.f32 $8.000000000e+00, v4;
	v4 =	vld [tilespmem:s24+$0x20]  }
0x63: {  	v7 =	vld [tilespmem:s24+$0x30];
	[tilespmem:s24+$0xFFFFFFB0] =	vst v1;
	v1 =	vmul.f32 $8.000000000e+00, v5  }
0x64: {  	v5 =	vmul.f32 $8.000000000e+00, v6;
	[tilespmem:s24+$0xFFFFFFC0] =	vst v0;
	v0 =	vld [tilespmem:s24+$0x40]  }
0x65: {  	[tilespmem:s24+$0xFFFFFFD0] =	vst v1;
	v1 =	vmul.f32 $8.000000000e+00, v2;
	v2 =	vld [tilespmem:s24+$0x50]  }
0x66: {  	[tilespmem:s24+$0xFFFFFFE0] =	vst v5;
	v6 =	vmul.f32 $8.000000000e+00, v3;
	v3 =	vld [tilespmem:s24+$0x60]  }
0x67: {  	[tilespmem:s24+$0x0] =	vst v1;
	v5 =	vmul.f32 $8.000000000e+00, v4;
	v4 =	vld [tilespmem:s24+$0x70]  }
0x68: {  	s25 =	simm.s32 $0x0;
	s26 =	simm.s32 $0x8580;
	v1 =	vld [tilespmem:s24+$0xFFFFFFF0];
	[tilespmem:s24+$0x10] =	vst v6;
	v6 =	vmul.f32 $8.000000000e+00, v7  }
.LBB2_5:
0x69: {  	v7 =	vld [tilespmem:s26+$0xFFFFFF80];
	[tilespmem:s24+$0x20] =	vst v5;
	v0 =	vmul.f32 $8.000000000e+00, v0  }
0x6a: {  	v5 =	vld [tilespmem:s26+$0xFFFFFF90];
	[tilespmem:s24+$0x30] =	vst v6;
	v2 =	vmul.f32 $8.000000000e+00, v2  }
0x6b: {  	v6 =	vld [tilespmem:s26+$0xFFFFFFA0];
	[tilespmem:s24+$0x40] =	vst v0;
	v0 =	vmul.f32 $8.000000000e+00, v3  }
0x6c: {  	v3 =	vld [tilespmem:s26+$0xFFFFFFB0];
	[tilespmem:s24+$0x50] =	vst v2;
	v2 =	vmul.f32 $8.000000000e+00, v4  }
0x6d: {  	v4 =	vld [tilespmem:s26+$0xFFFFFFC0];
	v1 =	vmul.f32 $8.000000000e+00, v1;
	[tilespmem:s24+$0x60] =	vst v0  }
0x6e: {  	v0 =	vmul.f32 $8.000000000e+00, v7;
	v7 =	vld [tilespmem:s26+$0xFFFFFFD0];
	[tilespmem:s24+$0x70] =	vst v2  }
0x6f: {  	v2 =	vmul.f32 $8.000000000e+00, v5;
	v5 =	vld [tilespmem:s26+$0xFFFFFFE0];
	[tilespmem:s24+$0xFFFFFFF0] =	vst v1;
	s24 =	smov.u32 s26  }
0x70: {  	[tilespmem:s26+$0xFFFFFF80] =	vst v0;
	v0 =	vmul.f32 $8.000000000e+00, v6;
	v1 =	vld [tilespmem:s26+$0x0]  }
0x71: {  	[tilespmem:s26+$0xFFFFFF90] =	vst v2;
	v2 =	vmul.f32 $8.000000000e+00, v3;
	v3 =	vld [tilespmem:s26+$0x10]  }
0x72: {  	s25 =	sadd.s32 $0x4, s25;
	[tilespmem:s26+$0xFFFFFFA0] =	vst v0;
	v0 =	vmul.f32 $8.000000000e+00, v4;
	v4 =	vld [tilespmem:s26+$0x20]  }
0x73: {  	p1 =	slt.u32 s25, $0x1FC;
	[tilespmem:s26+$0xFFFFFFB0] =	vst v2;
	v2 =	vmul.f32 $8.000000000e+00, v7;
	v6 =	vld [tilespmem:s26+$0x30]  }
.Ltmp3:
0x74: {  	[tilespmem:s26+$0xFFFFFFC0] =	vst v0;
	v5 =	vmul.f32 $8.000000000e+00, v5;
	v0 =	vld [tilespmem:s26+$0x40];
	(pc) =	sbr.rel @p1 .LBB2_5-.Ltmp3, $4  }
0x75: {  	[tilespmem:s26+$0xFFFFFFD0] =	vst v2;
	v1 =	vmul.f32 $8.000000000e+00, v1;
	v2 =	vld [tilespmem:s26+$0x50]  }
0x76: {  	[tilespmem:s26+$0xFFFFFFE0] =	vst v5;
	v7 =	vmul.f32 $8.000000000e+00, v3;
	v3 =	vld [tilespmem:s26+$0x60]  }
0x77: {  	[tilespmem:s26+$0x0] =	vst v1;
	v5 =	vmul.f32 $8.000000000e+00, v4;
	v4 =	vld [tilespmem:s26+$0x70]  }
0x78: {  	s26 =	sadd.s32 $0x100, s26;
	v1 =	vld [tilespmem:s24+$0xFFFFFFF0];
	[tilespmem:s24+$0x10] =	vst v7;
	v6 =	vmul.f32 $8.000000000e+00, v6  }
0x79: {  	[tilespmem:s24+$0x20] =	vst v5;
	v0 =	vmul.f32 $8.000000000e+00, v0  }
0x7a: {  	[tilespmem:s24+$0x30] =	vst v6;
	v2 =	vmul.f32 $8.000000000e+00, v2  }
0x7b: {  	[tilespmem:s24+$0x40] =	vst v0;
	v62 =	vmul.f32 $8.000000000e+00, v3  }
.Ltmp4:
0x7c: {  	s25 =	sadd.s32 s23, s10;
	[tilespmem:s24+$0x50] =	vst v2;
	v63 =	vmul.f32 $8.000000000e+00, v4;
	(pc) =	sbr.rel @p0 .LBB2_8-.Ltmp4, $4  }
0x7d: {  	s25 =	sshll.u32 s25, $0x3;
	v1 =	vmul.f32 $8.000000000e+00, v1;
	[tilespmem:s24+$0x60] =	vst v62  }
0x7e: {  	s25 =	sand.u32 $0x1FFFF000, s25;
	[tilespmem:s24+$0x70] =	vst v63  }
0x7f: {  	s31 =	sadd.s32 s2, s25;
	[tilespmem:s24+$0xFFFFFFF0] =	vst v1  }
0x80: {  	[hbm4b:s31+s3] =	stream.linear.scatter [tilespmem:s16], [sflag:$0x4], $0x8000, $0x38;
	[tilespmem:$0x10400] =	vst v63  }
0x81: {  	s23 =	sadd.s32 s23, s11  }
0x82: {  	s23 =	sshrl.u32 s23, $0x3  }
0x83: {  	s23 =	sadd.s32 s4, s23  }
0x84: {  	[tilespmem:s14], [sflag:$0x5] =	stream.linear.gather [hbm4b:s23+s3], $0x200, $0x38;
	[tilespmem:$0x10400] =	vst v63  }
0x85: {  	_ =	swait.ge [sflag:s13], $0x200  }
0x86: {  	[sflag:s13] =	ssyncset.done $0x0  }
.Ltmp5:
0x87: {  	[sflag:s13] =	ssyncadd.s32 $0xFFFFFE00;
	(pc) =	sbr.rel .LBB2_2-.Ltmp5, $4  }
0x88: {  	_ =	swait.ge [sflag:s20], $0x8000  }
0x89: {  	[sflag:s20] =	ssyncset.done $0x0  }
0x8a: {  	s22 =	sadd.s32 $0x1, s22;
	[sflag:s20] =	ssyncadd.s32 $0xFFFF8000  }
0x8b: {  	[tilespmem:s16], [sflag:$0x2] =	stream.indirect.gather [hbm4b:s5+s14], $0x40, s14, s14, $0xb8;
	[tilespmem:$0x10400] =	vst v63  }
.LBB2_9:
0x8c: {  	_ =	sfence.sel $0x180000  }
0x8d: {  	[bflag:$0x0] =	sbarrier.arrive $0xFFFF  }
0x8e: {  	p0 =	sne.s32 s0, $0x0;
	_ =	strace $0x90000047  }
0x8f: {  	s0 =	sadd.s32 @!p0 $0x100000, s1;
	[bflag:$0x2] =	sbarrier.arrive $0xFFFF  }
0x90: {  	[sflag:s0] =	ssyncadd.tile.s32 @!p0 $0x1;
	_ =	shalt  }
.Lfunc_end2:
_tile_overlayer_lowered:
.L_overlay_start_2:
0x91: {  	(tag) =	ssettag $0x2  }
0x92: {  	s0 =	rddreg [dreg:$0x0];
	s2 =	stileid.u32  }
0x93: {  	s1 =	rddreg [dreg:$0x1];
	p0 =	sne.s32 s2, $0x0  }
0x94: {  	s3 =	rddreg [dreg:$0x2];
	[bflag:$0x3] =	sbarrier.arrive $0xFFFF;
	s2 =	simm.s32 @!p0 $0x1C05  }
0x95: {  	[timem:s3], [sflag:s2] =	dma.local @!p0 [hbm:s0], s1  }
0x96: {  	s0 =	simm.s32 @!p0 $0x5  }
0x97: {  	_ =	swait.ge @!p0 [sflag:s0], s1  }
0x98: {  	s1 =	ssub.s32 @!p0 $0x0, s1;
	[sflag:s0] =	ssyncset.done @!p0 $0x0  }
0x99: {  	[sflag:s0] =	ssyncadd.s32 @!p0 s1  }
0x9a: {  	[bflag:$0x3] =	sbarrier.arrive $0xFFFF  }
0x9b: {  	_ =	shalt  }

// kernel: sparse-core-data-format-call.cloned.1.call-start
scs
called_computation_lowered:
.L_overlay_start_0:
0x0: {  	s2 =	sld [smem:$0x3FD9]  }
0x1: {  	s3 =	sld [smem:$0x3FFE];
	_ =	sdelay $0x1  }
0x2: {  	s1 =	srdreg.scid  }
0x3: {  	s0 =	sand.u32 $0x1, s1  }
0x4: {  	s18 =	sshll.u32 s0, $0xA;
	s2 =	sadd.s32 s3, s2  }
0x5: {  	s2 =	sadd.s32 s2, s18  }
0x6: {  	[smem:$0x3FC6] =	sst s2  }
0x7: {  	_ = 	snop  }
0x8: {  	s2 =	sld [smem:$0x3FD0];
	(tm) =	ssettm $0x1  }
0x9: {  	s19 =	sld [smem:$0x3FFB];
	_ =	sdelay $0x3  }
0xa: {  	_ =	strace s19  }
0xb: {  	s3 =	sld [smem:$0x3FFC];
	_ =	sdelay $0x3  }
0xc: {  	_ =	strace s3  }
0xd: {  	s3 =	sld [smem:$0x3FFD];
	_ =	sdelay $0x3  }
0xe: {  	_ =	strace s3  }
0xf: {  	_ =	strace $0x8FFFFFFF  }
0x10: {  	s20 =	sld [smem:$0x3FDB];
	_ =	sdelay $0x1  }
0x11: {  	s4 =	simm.s32 $_scs_section_size  }
0x12: {  	s5 =	simm.s32 $_size__tile_overlayer_lowered;
	s6 =	simm.s32 $_tile_overlayer_lowered  }
0x13: {  	s23 =	simm.s32 $0x1BFF;
	s22 =	sshll.u32 s6, $0x1;
	s3 =	sadd.s32 s4, s20  }
0x14: {  	s7 =	simm.s32 $0x0;
	s21 =	sshll.u32 s5, $0x1;
	s5 =	sadd.s32 s22, s3  }
0x15: {  	[timem:s7], [sflag:s23] =	dma.local [hbm:s5], s21  }
0x16: {  	_ =	swait.ge [sflag:s23], s21  }
0x17: {  	s4 =	ssub.s32 $0x0, s21;
	[sflag:s23] =	ssyncset.done $0x0  }
0x18: {  	[sflag:s23] =	ssyncadd.s32 s4;
	_ =	sdelay $0x1  }
0x19: {  	s24 =	simm.s32 $0x1B8B  }
0x1a: {  	_ =	swait.ge [sflag:s24], $0x1  }
0x1b: {  	[sflag:s24] =	ssyncset.done $0x0  }
0x1c: {  	s26 =	simm.s32 $0x1B8E;
	s25 =	sld [smem:$0x3FFE];
	[sflag:s24] =	ssyncadd.s32 $0xFFFFFFFF  }
0x1d: {  	s27 =	simm.s32 $execute0_lowered;
	[smem:$0x3FD2] =	sst s26  }
0x1e: {  	s5 =	sshll.u32 s27, $0x1;
	_ =	strace $0x80000049;
	[dreg:$0x1] =	wrdreg $0xFFFFFFFF  }
0x1f: {  	s28 =	simm.s32 $_size_execute0_lowered;
	s3 =	sadd.s32 s3, s5;
	[dreg:$0x0] =	wrdreg $0x0  }
0x20: {  	s5 =	sshll.u32 s28, $0x1;
	[dreg:$0x2] =	wrdreg s3  }
0x21: {  	[dreg:$0x3] =	wrdreg s5  }
0x22: {  	[dreg:$0x4] =	wrdreg $0xC0  }
0x23: {  	_ =	task [dreg:s7], $0x5FFFF  }
0x24: {  	[dreg:$0x1] =	wrdreg $0xFFFFFFFF  }
0x25: {  	[dreg:$0x0] =	wrdreg $0x60  }
0x26: {  	[dreg:$0x2] =	wrdreg s25  }
0x27: {  	[dreg:$0x3] =	wrdreg s2  }
0x28: {  	[dreg:$0x4] =	wrdreg $0x9  }
0x29: {  	_ =	task.clear_ibuf [dreg:s7], $0x5FFFF;
	_ =	strace $0x90000049  }
0x2a: {  	s29 =	simm.s32 $0x9;
	_ =	strace $0x8000004B  }
0x2b: {  	_ =	swait.ge [sflag:s29], $0x1  }
0x2c: {  	[sflag:s29] =	ssyncadd.s32 $0xFFFFFFFF  }
0x2d: {  	_ =	strace $0x9000004B  }
0x2e: {  	_ =	sfence  }
0x2f: {  	s30 =	sld [smem:$0x0];
	_ =	sdelay $0x2  }
0x30: {  	s31 =	sshll.u32 s1, $0xD;
	s1 =	sshrl.u32 s1, $0x2  }
0x31: {  	s3 =	sand.u32 $0x4000, s31;
	s1 =	sadd.s32 s1, s30  }
0x32: {  	s0 =	sor.u32 s3, s0;
	s1 =	sshll.u32 s1, $0x11  }
0x33: {  	s0 =	sor.u32 s1, s0  }
0x34: {  	s0 =	sadd.s32 $0x8F2B, s0  }
0x35: {  	[sflag:s0] =	ssyncadd.remote.s32 $0x1  }
0x36: {  	_ =	sfence.sel $0xFFFF  }
0x37: {  	[dreg:$0x0] =	wrdreg $0xFFFFFFFF;
	(pc) =	sbr.abs _section_cstart, $3  }
0x38: {  	[dreg:$0x1] =	wrdreg $0xFFFFFFFF  }
0x39: {  	_ =	task.clear_ibuf [dreg:s7], $0x2FFFF;
	_ =	strace $0x9FFFFFFF  }
0x3a: {  	(tm) =	ssettm $0x7FFFFFFF  }
0x3b: {  	_ =	shalt  }
tec
execute0_lowered:
.L_overlay_start_1:
0x0: {  	(tag) =	ssettag $0x1  }
0x1: {  	s0 =	srdreg.scid  }
0x2: {  	s1 =	sshll.u32 s0, $0x4  }
0x3: {  	s5 =	rddreg [dreg:$0x0];
	s0 =	stileid.u32;
	s1 =	sand.u32 $0x10, s1  }
0x4: {  	s3 =	rddreg [dreg:$0x1];
	s31 =	simm.s32 $0x2;
	s4 =	sor.u32 s0, s1  }
0x5: {  	s13 =	simm.s32 $0x0;
	s9 =	simm.s32 $0x400;
	s2 =	sshll.u32 s4, $0x7  }
0x6: {  	s10 =	simm.s32 $0x8000;
	s14 =	simm.s32 $0x0;
	s6 =	ssub.s32 $0x1000, s2  }
0x7: {  	s1 =	rddreg [dreg:$0x2];
	_ =	strace $0x8000004A;
	s7 =	sand.u32 $0xF80, s6  }
0x8: {  	s4 =	sshll.u32 s4, $0xB;
	p0 =	sne.s32 s7, $0x0;
	s7 =	simm.s32 $0x1  }
.Ltmp0:
0x9: {  	s6 =	sshrl.u32 s6, $0xC;
	s7 =	simm.s32 @!p0 $0x0;
	(pc) =	sbr.rel .LBB1_1-.Ltmp0, $4  }
0xa: {  	s8 =	sadd.s32 s4, s5;
	s4 =	simm.s32 $0x1;
	s30 =	sadd.s32 s7, s6  }
0xb: {  	s11 =	simm.s32 $0x0;
	[sflag:s4] =	ssyncpa.u1 $0x0;
	s5 =	smul.u32 $0x64, s30  }
0xc: {  	s12 =	simm.s32 $0x0;
	[sflag:s31] =	ssyncpa.u1 $0x0;
	p0 =	por $0x0, $0x0  }
0xd: {  	s6 =	sadd.s32 $0xA00, s8;
	s7 =	sadd.s32 $0x10A00, s8;
	s8 =	sor.u32 $0x1, s5  }
.LBB1_7:
0xe: {  	s15 =	sadd.s32 $0x2, s11  }
0xf: {  	p2 =	sgt.s32 s15, $0xC7  }
0x10: {  	s15 =	simm.s32 @p2 $0x0;
	p2 =	sne.s32 s12, s8  }
.Ltmp1:
0x11: {  	p1 =	slt.u32 s12, $0x2;
	(pc) =	sbr.rel @!p2 .LBB1_8-.Ltmp1, $4  }
0x12: {  	s13 =	simm.s32 @!p1 $0x2  }
0x13: {  	s16 =	sadd.s32 $0x1, s12;
	s14 =	smov.u32 s11;
	_ =	swait.ge @!p1 [sflag:s13], $0x4000  }
0x14: {  	p0 =	por !p0, !p0;
	s12 =	smov.u32 s16;
	[sflag:s13] =	ssyncset.done @!p1 $0x0  }
0x15: {  	s11 =	smov.u32 s15;
	[sflag:s13] =	ssyncadd.s32 @!p1 $0xFFFFC000;
	s13 =	smov.u32 s2  }
.LBB1_1:
0x16: {  	p1 =	sge.u32 s12, s5  }
0x17: {  	s15 =	sxor.u32 @!p1 $0xFFFFFFFF, s12  }
0x18: {  	s16 =	sshll.u32 @!p1 s11, $0x10;
	s18 =	simm.s32 @!p1 $0x40;
	s15 =	sshll.u32 @!p1 s15, $0xE  }
0x19: {  	s19 =	simm.s32 @!p1 $0x80;
	s17 =	sadd.s32 @!p1 s16, s6;
	s15 =	sand.u32 @!p1 $0x4000, s15  }
0x1a: {  	[tilespmem:s15], [sflag:$0x1] =	stream.strided.gather @!p1 [hbm4b:s17+s18], $0x2000, s19, s18, $0x38;
	[tilespmem:$0x10100] =	vst v63  }
0x1b: {  	s31 =	sadd.s32 $0xFFFFFFFF, s12;
	s16 =	sadd.s32 @!p1 s16, s7;
	s15 =	sor.u32 @!p1 $0x2000, s15  }
0x1c: {  	[tilespmem:s15], [sflag:$0x1] =	stream.strided.gather @!p1 [hbm4b:s16+s18], $0x2000, s19, s18, $0x38;
	[tilespmem:$0x10100] =	vst v63  }
0x1d: {  	p1 =	sge.u32 s31, s5  }
.Ltmp2:
0x1e: {  	_ = 	snop;
	(pc) =	sbr.rel @p1 .LBB1_7-.Ltmp2, $1  }
0x1f: {  	_ =	sdelay $0x3  }
0x20: {  	s15 =	simm.s32 $0x1;
	s17 =	sand.u32 $0x1, s12  }
0x21: {  	_ =	swait.ge [sflag:s4], $0x4000;
	s15 =	simm.s32 @!p0 $0x0;
	s17 =	smul.u32 $0x10200, s17  }
0x22: {  	p2 =	por $0x1, $0x1;
	[sflag:s4] =	ssyncset.done $0x0;
	s16 =	smul.u32 $0x10200, s15  }
0x23: {  	s18 =	sshll.u32 s15, $0x10;
	[sflag:s4] =	ssyncadd.s32 $0xFFFFC000;
	s30 =	sshrl.u32 s17, $0x2  }
0x24: {  	s31 =	sshrl.u32 s18, $0x2;
	s18 =	simm.s32 $0x0;
	s16 =	sshrl.u32 s16, $0x2  }
0x25: {  	s15 =	sor.u32 $0x8000, s30;
	s17 =	sadd.s32 $0x20, s31;
	s16 =	sor.u32 $0x8000, s16  }
.LBB1_3:
0x26: {  	s19 =	sshll.u32 s18, $0xD  }
0x27: {  	s19 =	sand.u32 $0x3FFFE000, s19  }
0x28: {  	s21 =	sadd.s32 s19, s17  }
0x29: {  	s31 =	smul.u32 $0x8100, s18;
	v3 =	vld [tilespmem:s21+$0x10]  }
0x2a: {  	v1 =	vld [tilespmem:s21+$0xFFFFFFF0]  }
0x2b: {  	s18 =	sshra.s32 s31, $0x2;
	v0 =	vld [tilespmem:s21+$0x0]  }
0x2c: {  	s18 =	sadd.s32 s18, s16;
	v2 =	vld [tilespmem:s21+$0xFFFFFFE0]  }
0x2d: {  	s19 =	sadd.s32 $0x0, s18  }
0x2e: {  	p1 =	por p2, p2;
	s20 =	simm.s32 $0x4;
	s21 =	sadd.s32 $0x40, s21;
	[tilespmem:s19+$0x1830 ss:$0x81] =	vst.msk $0xffff, v3  }
.LBB1_4:
0x2f: {  	v3 =	vld [tilespmem:s21+$0x10];
	p2 =	sne.s32 s20, $0x1FC;
	[tilespmem:s19+$0x810 ss:$0x81] =	vst.msk $0xffff, v1;
	s22 =	smov.u32 s20;
	s20 =	sadd.s32 $0x4, s20  }
.Ltmp3:
0x30: {  	v1 =	vld [tilespmem:s21+$0xFFFFFFF0];
	[tilespmem:s19+$0x1020 ss:$0x81] =	vst.msk $0xffff, v0;
	(pc) =	sbr.rel @p2 .LBB1_4-.Ltmp3, $4  }
0x31: {  	v0 =	vld [tilespmem:s21+$0x0];
	[tilespmem:s19+$0x0 ss:$0x81] =	vst.msk $0xffff, v2  }
0x32: {  	s19 =	sshra.s32 s22, $0x2;
	v2 =	vld [tilespmem:s21+$0xFFFFFFE0]  }
0x33: {  	s19 =	sadd.s32 s19, s18  }
0x34: {  	s21 =	sadd.s32 $0x40, s21;
	[tilespmem:s19+$0x1830 ss:$0x81] =	vst.msk $0xffff, v3  }
.Ltmp4:
0x35: {  	(pc) =	sbr.rel @p1 .LBB1_3-.Ltmp4, $4  }
0x36: {  	_ = 	snop  }
0x37: {  	[tilespmem:s19+$0x810 ss:$0x81] =	vst.msk $0xffff, v1  }
0x38: {  	[tilespmem:s19+$0x1020 ss:$0x81] =	vst.msk $0xffff, v0  }
0x39: {  	s18 =	simm.s32 $0x1;
	p2 =	por $0x0, $0x0;
	[tilespmem:s19+$0x0 ss:$0x81] =	vst.msk $0xffff, v2  }
.Ltmp5:
0x3a: {  	(pc) =	sbr.rel .LBB1_7-.Ltmp5, $4  }
0x3b: {  	s14 =	sshll.u32 s14, $0xF  }
0x3c: {  	s14 =	sadd.s32 s3, s14  }
0x3d: {  	s13 =	sadd.s32 s13, s14  }
0x3e: {  	[hbm4b:s13+s9] =	stream.strided.scatter [tilespmem:s15], [sflag:$0x2], $0x4000, s10, s9, $0x20;
	[tilespmem:$0x10100] =	vst v63  }
.LBB1_8:
0x3f: {  	_ =	sfence.sel $0x180000  }
0x40: {  	s2 =	simm.s32 $0x1;
	[bflag:$0x0] =	sbarrier.arrive $0xFFFF  }
0x41: {  	s31 =	simm.s32 $0x2;
	[sflag:s2] =	ssyncpa.u1 $0x1  }
0x42: {  	[sflag:s31] =	ssyncpa.u1 $0x1  }
0x43: {  	p0 =	sne.s32 s0, $0x0;
	_ =	strace $0x9000004A  }
0x44: {  	s0 =	sadd.s32 @!p0 $0x100000, s1;
	[bflag:$0x2] =	sbarrier.arrive $0xFFFF  }
0x45: {  	[sflag:s0] =	ssyncadd.tile.s32 @!p0 $0x1;
	_ =	shalt  }
.Lfunc_end1:
_tile_overlayer_lowered:
.L_overlay_start_2:
0x46: {  	(tag) =	ssettag $0x2  }
0x47: {  	s0 =	rddreg [dreg:$0x0];
	s2 =	stileid.u32  }
0x48: {  	s1 =	rddreg [dreg:$0x1];
	p0 =	sne.s32 s2, $0x0  }
0x49: {  	s3 =	rddreg [dreg:$0x2];
	[bflag:$0x3] =	sbarrier.arrive $0xFFFF;
	s2 =	simm.s32 @!p0 $0x1C01  }
0x4a: {  	[timem:s3], [sflag:s2] =	dma.local @!p0 [hbm:s0], s1  }
0x4b: {  	s0 =	simm.s32 @!p0 $0x1  }
0x4c: {  	_ =	swait.ge @!p0 [sflag:s0], s1  }
0x4d: {  	s1 =	ssub.s32 @!p0 $0x0, s1;
	[sflag:s0] =	ssyncset.done @!p0 $0x0  }
0x4e: {  	[sflag:s0] =	ssyncadd.s32 @!p0 s1  }
0x4f: {  	[bflag:$0x3] =	sbarrier.arrive $0xFFFF  }
0x50: {  	_ =	shalt  }

</sc_bundles>
